<compile_context>
chip_gen: v7x
topology: tpu7x:2x2x1
jax: 0.10.2.dev20260603
libtpu: 0.0.44.dev20260713+nightly
codegen_flags: <defaults>
</compile_context>

<pallas_src>
import jax
import jax.numpy as jnp
from jax import lax
from jax.experimental import pallas as pl
from jax.experimental.pallas import tpu as pltpu
from jax.experimental.pallas import tpu_sc as plsc

NUM_NODES = 2708
NUM_EDGES = 500000
D = 128
NP = 2816
NC = 2
NS = 16
CR = 704
NCHUNK = NP // CR
PASSES = NCHUNK // NC
CHUNK_W = CR * NP
SLAB = CHUNK_W // NS
B = 512
NB = 62
E_REAL_PS = NUM_EDGES // NS
E_PROC_PS = NB * B
E_STG_PS = E_PROC_PS + 2 * B


def _hist_body(src_hbm, dst_hbm, zeros_hbm, a_hbm,
               sb_a, db_a, sb_b, db_b, ib_a, vb_a, ib_b, vb_b, chunk,
               sem_ea, sem_eb, sem_sa, sem_sb):
    c = lax.axis_index("c")
    s = lax.axis_index("s")
    ebase = s * E_STG_PS

    def start_e(blk, sb, db, sem):
        off = ebase + blk * B
        pltpu.async_copy(src_hbm.at[pl.ds(off, B)], sb, sem)
        pltpu.async_copy(dst_hbm.at[pl.ds(off, B)], db, sem)

    def drain_e(sb, db, sem):
        pltpu.make_async_copy(src_hbm.at[pl.ds(0, B)], sb, sem).wait()
        pltpu.make_async_copy(dst_hbm.at[pl.ds(0, B)], db, sem).wait()

    def compute(sb, db, ib, vb, base):
        def slice_body(i, carry):
            sv = sb[pl.ds(i * 16, 16)]
            dv = db[pl.ds(i * 16, 16)]
            t = dv * NP + sv - base
            m = (t >= 0) & (t < CHUNK_W)
            ib[pl.ds(i * 16, 16)] = jnp.where(m, t, t & 0xFFFFF)
            vb[pl.ds(i * 16, 16)] = jnp.where(m, 1.0, 0.0)
            return carry
        lax.fori_loop(0, B // 16, slice_body, 0)

    def start_s(ib, vb, sem):
        pltpu.async_copy(vb, chunk.at[ib], sem, add=True)

    def drain_s(ib, vb, sem):
        pltpu.make_async_copy(vb, chunk.at[ib], sem).wait()

    for p in range(PASSES):
        k = p * NC + c
        base = k * CHUNK_W
        pltpu.sync_copy(zeros_hbm, chunk.at[pl.ds(s * SLAB, SLAB)])
        plsc.subcore_barrier()

        start_e(0, sb_a, db_a, sem_ea)
        start_e(1, sb_b, db_b, sem_eb)
        drain_e(sb_a, db_a, sem_ea)
        compute(sb_a, db_a, ib_a, vb_a, base)
        start_s(ib_a, vb_a, sem_sa)
        start_e(2, sb_a, db_a, sem_ea)
        drain_e(sb_b, db_b, sem_eb)
        compute(sb_b, db_b, ib_b, vb_b, base)
        start_s(ib_b, vb_b, sem_sb)
        start_e(3, sb_b, db_b, sem_eb)

        def pair(q, carry):
            drain_e(sb_a, db_a, sem_ea)
            drain_s(ib_a, vb_a, sem_sa)
            compute(sb_a, db_a, ib_a, vb_a, base)
            start_s(ib_a, vb_a, sem_sa)
            start_e(2 * q + 2, sb_a, db_a, sem_ea)
            drain_e(sb_b, db_b, sem_eb)
            drain_s(ib_b, vb_b, sem_sb)
            compute(sb_b, db_b, ib_b, vb_b, base)
            start_s(ib_b, vb_b, sem_sb)
            start_e(2 * q + 3, sb_b, db_b, sem_eb)
            return carry

        lax.fori_loop(1, NB // 2, pair, 0)
        drain_e(sb_a, db_a, sem_ea)
        drain_e(sb_b, db_b, sem_eb)
        drain_s(ib_a, vb_a, sem_sa)
        drain_s(ib_b, vb_b, sem_sb)
        plsc.subcore_barrier()
        pltpu.sync_copy(chunk.at[pl.ds(s * SLAB, SLAB)],
                        a_hbm.at[pl.ds(base + s * SLAB, SLAB)])


def _build_counts(src, dst, zeros):
    mesh = plsc.VectorSubcoreMesh(core_axis_name="c", subcore_axis_name="s")
    return pl.kernel(
        _hist_body,
        out_type=jax.ShapeDtypeStruct((NP * NP,), jnp.float32),
        mesh=mesh,
        scratch_types=[
            pltpu.VMEM((B,), jnp.int32),
            pltpu.VMEM((B,), jnp.int32),
            pltpu.VMEM((B,), jnp.int32),
            pltpu.VMEM((B,), jnp.int32),
            pltpu.VMEM((B,), jnp.int32),
            pltpu.VMEM((B,), jnp.float32),
            pltpu.VMEM((B,), jnp.int32),
            pltpu.VMEM((B,), jnp.float32),
            pltpu.VMEM_SHARED((CHUNK_W,), jnp.float32),
            pltpu.SemaphoreType.DMA,
            pltpu.SemaphoreType.DMA,
            pltpu.SemaphoreType.DMA,
            pltpu.SemaphoreType.DMA,
        ],
    )(src, dst, zeros)


def _mm_body(a_ref, x_ref, w_ref, b_ref, o_ref):
    a = a_ref[...]
    ax = jnp.dot(a, x_ref[...], preferred_element_type=jnp.float32)
    h = lax.dot_general(ax, w_ref[...], (((1,), (1,)), ((), ())),
                        preferred_element_type=jnp.float32)
    deg = jnp.sum(a, axis=1, keepdims=True)
    o_ref[...] = h + deg * b_ref[...]


def _gcn_matmul(a2d, x_pad, weight, bias2d):
    BM = 256
    grid = (NP // BM,)
    return pl.pallas_call(
        _mm_body,
        grid=grid,
        in_specs=[
            pl.BlockSpec((BM, NP), lambda i: (i, 0)),
            pl.BlockSpec((NP, D), lambda i: (0, 0)),
            pl.BlockSpec((D, D), lambda i: (0, 0)),
            pl.BlockSpec((1, D), lambda i: (0, 0)),
        ],
        out_specs=pl.BlockSpec((BM, D), lambda i: (i, 0)),
        out_shape=jax.ShapeDtypeStruct((NP, D), jnp.float32),
    )(a2d, x_pad, weight, bias2d)


def kernel(x, edge_index, weight, bias):
    src = edge_index[0].astype(jnp.int32)
    dst = edge_index[1].astype(jnp.int32)
    pad = E_STG_PS - E_REAL_PS
    src16 = src.reshape(NS, E_REAL_PS)
    dst16 = dst.reshape(NS, E_REAL_PS)
    src_p = jnp.concatenate(
        [src16, jnp.zeros((NS, pad), jnp.int32)], axis=1).reshape(-1)
    dst_p = jnp.concatenate(
        [dst16, jnp.full((NS, pad), NP * 2, jnp.int32)], axis=1).reshape(-1)

    zeros = jnp.zeros((SLAB,), jnp.float32)
    a_flat = _build_counts(src_p, dst_p, zeros)
    a2d = a_flat.reshape(NP, NP)

    x_pad = jnp.zeros((NP, D), jnp.float32).at[:NUM_NODES].set(x)
    out = _gcn_matmul(a2d, x_pad, weight, bias.reshape(1, D))
    return out[:NUM_NODES]

# --- scband reference (transcript-rebuilt; emitter-appended) ---
"""Pipeline reference for scband-gcn-90340342104697 (READ-ONLY COPY).

The authoritative reference and input builder live on the scoring server;
editing this copy changes nothing except your own understanding.
"""

import jax, jax.numpy as jnp
import numpy as np

N_NODES = 2708
E = 500000
D_IN = 128
D_OUT = 128


def setup_inputs(seed: int = 0) -> dict:
    key = jax.random.key(seed)
    k_x, k_ei, k_w, k_b = jax.random.split(key, 4)
    x = jax.random.normal(k_x, (N_NODES, D_IN), dtype=jnp.float32)
    edge_index = jax.random.randint(k_ei, (2, E), 0, N_NODES, dtype=jnp.int64)
    # learned parameters (weight: [out_channels, in_channels], bias: [out_channels])
    weight = jax.random.normal(k_w, (D_OUT, D_IN), dtype=jnp.float32) * 0.05
    bias = jax.random.normal(k_b, (D_OUT,), dtype=jnp.float32) * 0.05
    return {"x": x, "edge_index": edge_index, "weight": weight, "bias": bias}


def reference(x, edge_index, weight, bias):
    # F.dropout with training=False (eval mode) is identity, so omitted.
    # F.linear(x, weight, bias) = x @ weight.T + bias
    h = jnp.dot(x, weight.T) + bias
    # message: gather source-node features per edge
    x_j = jnp.take(h, edge_index[0], axis=0)
    # aggregate: scatter-add into destination nodes (dim_size hardcoded to 2708)
    out = jax.ops.segment_sum(x_j, edge_index[1], num_segments=N_NODES)
    # update: identity
    return out

if __name__ == "__main__":
    import jax
    _d = setup_inputs()
    print(jax.jit(kernel)(*tuple(_d.values())))

</pallas_src>

<mosaic_0001>
#map = affine_map<(d0, d1) -> (0)>
module attributes {stable_mosaic.version = 14 : i64} {
  func.func @_hist_body(%arg0: i32, %arg1: i32, %arg2: memref<524288xi32, #tpu.memory_space<hbm>>, %arg3: memref<524288xi32, #tpu.memory_space<hbm>>, %arg4: memref<123904xf32, #tpu.memory_space<hbm>>, %arg5: memref<7929856xf32, #tpu.memory_space<hbm>>, %arg6: memref<512xi32, #tpu.memory_space<vmem>>, %arg7: memref<512xi32, #tpu.memory_space<vmem>>, %arg8: memref<512xi32, #tpu.memory_space<vmem>>, %arg9: memref<512xi32, #tpu.memory_space<vmem>>, %arg10: memref<512xi32, #tpu.memory_space<vmem>>, %arg11: memref<512xf32, #tpu.memory_space<vmem>>, %arg12: memref<512xi32, #tpu.memory_space<vmem>>, %arg13: memref<512xf32, #tpu.memory_space<vmem>>, %arg14: memref<1982464xf32, #tpu.memory_space<vmem_shared>>, %arg15: memref<!tpu.dma_semaphore, #tpu.memory_space<semaphore_mem>>, %arg16: memref<!tpu.dma_semaphore, #tpu.memory_space<semaphore_mem>>, %arg17: memref<!tpu.dma_semaphore, #tpu.memory_space<semaphore_mem>>, %arg18: memref<!tpu.dma_semaphore, #tpu.memory_space<semaphore_mem>>) attributes {dimension_semantics = [#tpu.dimension_semantics<core_parallel>, #tpu.dimension_semantics<subcore_parallel>], iteration_bounds = array<i64: 2, 16>, scalar_prefetch = 0 : i64, scratch_operands = 13 : i64, tpu.core_type = #tpu.core_type<sc_vector_subcore>, window_params = [{transform_indices = #map}, {transform_indices = #map}, {transform_indices = #map}, {transform_indices = #map}]} {
    %mul3A = arith.constant 32768 : i32
    %mul3A_0 = arith.muli %arg1, %mul3A : i32
    %add3A = arith.constant 0 : i32
    %add3A_1 = arith.addi %add3A, %arg0 : i32
    %mul3A_2 = arith.constant 1982464 : i32
    %mul3A_3 = arith.muli %add3A_1, %mul3A_2 : i32
    %mul3A_4 = arith.constant 123904 : i32
    %mul3A_5 = arith.muli %arg1, %mul3A_4 : i32
    "tpu.region"() ({
      %run_scoped3A = tpu.sem_alloc : memref<!tpu.dma_semaphore, #tpu.memory_space<semaphore_mem>>
      %dma_start3A_186 = tpu.memref_slice %arg14[%mul3A_5] : memref<1982464xf32, #tpu.memory_space<vmem_shared>> -> memref<123904xf32, #tpu.memory_space<vmem_shared>>
      tpu.enqueue_dma source(%arg4 : memref<123904xf32, #tpu.memory_space<hbm>>) target(%dma_start3A_186 : memref<123904xf32, #tpu.memory_space<vmem_shared>>) target_semaphore(%run_scoped3A : memref<!tpu.dma_semaphore, #tpu.memory_space<semaphore_mem>>)
      %dma_wait3A_187 = tpu.memref_slice %arg14[%mul3A_5] : memref<1982464xf32, #tpu.memory_space<vmem_shared>> -> memref<123904xf32, #tpu.memory_space<vmem_shared>>
      tpu.wait_dma2 semaphore(%run_scoped3A : memref<!tpu.dma_semaphore, #tpu.memory_space<semaphore_mem>>) src(%arg4 : memref<123904xf32, #tpu.memory_space<hbm>>) dst(%dma_wait3A_187 : memref<123904xf32, #tpu.memory_space<vmem_shared>>)
      tpu.yield
    }) : () -> ()
    %barrier3A = arith.constant 0 : index
    tpu.barrier barrier_id(%barrier3A)
    %add3A_6 = arith.constant 0 : i32
    %add3A_7 = arith.addi %mul3A_0, %add3A_6 : i32
    %dma_start3A = tpu.memref_slice %arg2[%add3A_7] : memref<524288xi32, #tpu.memory_space<hbm>> -> memref<512xi32, #tpu.memory_space<hbm>>
    %dma_start3A_8 = tpu.memref_slice %arg2[%add3A_7] : memref<524288xi32, #tpu.memory_space<hbm>> -> memref<512xi32, #tpu.memory_space<hbm>>
    tpu.enqueue_dma source(%dma_start3A_8 : memref<512xi32, #tpu.memory_space<hbm>>) target(%arg6 : memref<512xi32, #tpu.memory_space<vmem>>) target_semaphore(%arg15 : memref<!tpu.dma_semaphore, #tpu.memory_space<semaphore_mem>>)
    %dma_start3A_9 = tpu.memref_slice %arg3[%add3A_7] : memref<524288xi32, #tpu.memory_space<hbm>> -> memref<512xi32, #tpu.memory_space<hbm>>
    %dma_start3A_10 = tpu.memref_slice %arg3[%add3A_7] : memref<524288xi32, #tpu.memory_space<hbm>> -> memref<512xi32, #tpu.memory_space<hbm>>
    tpu.enqueue_dma source(%dma_start3A_10 : memref<512xi32, #tpu.memory_space<hbm>>) target(%arg7 : memref<512xi32, #tpu.memory_space<vmem>>) target_semaphore(%arg15 : memref<!tpu.dma_semaphore, #tpu.memory_space<semaphore_mem>>)
    %add3A_11 = arith.constant 512 : i32
    %add3A_12 = arith.addi %mul3A_0, %add3A_11 : i32
    %dma_start3A_13 = tpu.memref_slice %arg2[%add3A_12] : memref<524288xi32, #tpu.memory_space<hbm>> -> memref<512xi32, #tpu.memory_space<hbm>>
    %dma_start3A_14 = tpu.memref_slice %arg2[%add3A_12] : memref<524288xi32, #tpu.memory_space<hbm>> -> memref<512xi32, #tpu.memory_space<hbm>>
    tpu.enqueue_dma source(%dma_start3A_14 : memref<512xi32, #tpu.memory_space<hbm>>) target(%arg8 : memref<512xi32, #tpu.memory_space<vmem>>) target_semaphore(%arg16 : memref<!tpu.dma_semaphore, #tpu.memory_space<semaphore_mem>>)
    %dma_start3A_15 = tpu.memref_slice %arg3[%add3A_12] : memref<524288xi32, #tpu.memory_space<hbm>> -> memref<512xi32, #tpu.memory_space<hbm>>
    %dma_start3A_16 = tpu.memref_slice %arg3[%add3A_12] : memref<524288xi32, #tpu.memory_space<hbm>> -> memref<512xi32, #tpu.memory_space<hbm>>
    tpu.enqueue_dma source(%dma_start3A_16 : memref<512xi32, #tpu.memory_space<hbm>>) target(%arg9 : memref<512xi32, #tpu.memory_space<vmem>>) target_semaphore(%arg16 : memref<!tpu.dma_semaphore, #tpu.memory_space<semaphore_mem>>)
    %dma_wait3A = arith.constant 0 : i32
    %dma_wait3A_17 = tpu.memref_slice %arg2[%dma_wait3A] : memref<524288xi32, #tpu.memory_space<hbm>> -> memref<512xi32, #tpu.memory_space<hbm>>
    %dma_wait3A_18 = arith.constant 0 : i32
    %dma_wait3A_19 = tpu.memref_slice %arg2[%dma_wait3A_18] : memref<524288xi32, #tpu.memory_space<hbm>> -> memref<512xi32, #tpu.memory_space<hbm>>
    tpu.wait_dma2 semaphore(%arg15 : memref<!tpu.dma_semaphore, #tpu.memory_space<semaphore_mem>>) src(%dma_wait3A_19 : memref<512xi32, #tpu.memory_space<hbm>>) dst(%arg6 : memref<512xi32, #tpu.memory_space<vmem>>)
    %dma_wait3A_20 = arith.constant 0 : i32
    %dma_wait3A_21 = tpu.memref_slice %arg3[%dma_wait3A_20] : memref<524288xi32, #tpu.memory_space<hbm>> -> memref<512xi32, #tpu.memory_space<hbm>>
    %dma_wait3A_22 = arith.constant 0 : i32
    %dma_wait3A_23 = tpu.memref_slice %arg3[%dma_wait3A_22] : memref<524288xi32, #tpu.memory_space<hbm>> -> memref<512xi32, #tpu.memory_space<hbm>>
    tpu.wait_dma2 semaphore(%arg15 : memref<!tpu.dma_semaphore, #tpu.memory_space<semaphore_mem>>) src(%dma_wait3A_23 : memref<512xi32, #tpu.memory_space<hbm>>) dst(%arg7 : memref<512xi32, #tpu.memory_space<vmem>>)
    %scan3A = arith.constant 0 : i32
    %scan3A_24 = arith.constant 0 : i32
    %scan3A_25 = arith.constant 32 : i32
    %scan3A_26 = arith.addi %scan3A_24, %scan3A_25 : i32
    %scan3A_27 = arith.constant 1 : i32
    scf.for %scan3A_186 = %scan3A_24 to %scan3A_26 step %scan3A_27  : i32 {
      %mul3A_187 = arith.constant 16 : i32
      %mul3A_188 = arith.muli %scan3A_186, %mul3A_187 : i32
      %get3A = arith.index_cast %mul3A_188 : i32 to index
      %get3A_189 = tpu.vector_load %arg6[%get3A] {strides = array<i32>} : memref<512xi32, #tpu.memory_space<vmem>>, vector<16xi32>,
      %get3A_190 = vector.shape_cast %get3A_189 : vector<16xi32> to vector<16xi32>
      %mul3A_191 = arith.constant 16 : i32
      %mul3A_192 = arith.muli %scan3A_186, %mul3A_191 : i32
      %get3A_193 = arith.index_cast %mul3A_192 : i32 to index
      %get3A_194 = tpu.vector_load %arg7[%get3A_193] {strides = array<i32>} : memref<512xi32, #tpu.memory_space<vmem>>, vector<16xi32>,
      %get3A_195 = vector.shape_cast %get3A_194 : vector<16xi32> to vector<16xi32>
      %mul3A_196 = arith.constant 2816 : i32
      %mul3A_197 = vector.broadcast %mul3A_196 : i32 to vector<16xi32>
      %mul3A_198 = arith.muli %get3A_195, %mul3A_197 : vector<16xi32>
      %add3A_199 = arith.addi %mul3A_198, %get3A_190 : vector<16xi32>
      %sub3A = vector.broadcast %mul3A_3 : i32 to vector<16xi32>
      %sub3A_200 = arith.subi %add3A_199, %sub3A : vector<16xi32>
      %ge3A = arith.constant 0 : i32
      %ge3A_201 = vector.broadcast %ge3A : i32 to vector<16xi32>
      %ge3A_202 = arith.cmpi sge, %sub3A_200, %ge3A_201 : vector<16xi32>
      %lt3A = arith.constant 1982464 : i32
      %lt3A_203 = vector.broadcast %lt3A : i32 to vector<16xi32>
      %lt3A_204 = arith.cmpi slt, %sub3A_200, %lt3A_203 : vector<16xi32>
      %and3A = arith.andi %ge3A_202, %lt3A_204 : vector<16xi1>
      %and3A_205 = arith.constant 1048575 : i32
      %and3A_206 = vector.broadcast %and3A_205 : i32 to vector<16xi32>
      %and3A_207 = arith.andi %sub3A_200, %and3A_206 : vector<16xi32>
      %select_n3A = arith.select %and3A, %sub3A_200, %and3A_207 : vector<16xi1>, vector<16xi32>
      %mul3A_208 = arith.constant 16 : i32
      %mul3A_209 = arith.muli %scan3A_186, %mul3A_208 : i32
      %swap3A = arith.index_cast %mul3A_209 : i32 to index
      %swap3A_210 = tpu.vector_load %arg10[%swap3A] {strides = array<i32>} : memref<512xi32, #tpu.memory_space<vmem>>, vector<16xi32>,
      %swap3A_211 = vector.shape_cast %swap3A_210 : vector<16xi32> to vector<16xi32>
      %swap3A_212 = vector.shape_cast %select_n3A : vector<16xi32> to vector<16xi32>
      tpu.vector_store %arg10[%swap3A], %swap3A_212 {strides = array<i32>} : memref<512xi32, #tpu.memory_space<vmem>>, vector<16xi32>,
      %jit3A = arith.constant 1.000000e+00 : f32
      %jit3A_213 = arith.constant 0.000000e+00 : f32
      %broadcast_in_dim3A = vector.broadcast %jit3A : f32 to vector<16xf32>
      %broadcast_in_dim3A_214 = vector.broadcast %jit3A_213 : f32 to vector<16xf32>
      %select_n3A_215 = arith.select %and3A, %broadcast_in_dim3A, %broadcast_in_dim3A_214 : vector<16xi1>, vector<16xf32>
      %mul3A_216 = arith.constant 16 : i32
      %mul3A_217 = arith.muli %scan3A_186, %mul3A_216 : i32
      %swap3A_218 = arith.index_cast %mul3A_217 : i32 to index
      %swap3A_219 = tpu.vector_load %arg11[%swap3A_218] {strides = array<i32>} : memref<512xf32, #tpu.memory_space<vmem>>, vector<16xf32>,
      %swap3A_220 = vector.shape_cast %swap3A_219 : vector<16xf32> to vector<16xf32>
      %swap3A_221 = vector.shape_cast %select_n3A_215 : vector<16xf32> to vector<16xf32>
      tpu.vector_store %arg11[%swap3A_218], %swap3A_221 {strides = array<i32>} : memref<512xf32, #tpu.memory_space<vmem>>, vector<16xf32>,
    }
    %scan3A_28 = arith.constant 32 : i32
    %dma_start3A_29 = arith.constant 0 : i32
    %dma_start3A_30 = tpu.memref_slice %arg14[%dma_start3A_29] : memref<1982464xf32, #tpu.memory_space<vmem_shared>> -> memref<1982464xf32, #tpu.memory_space<vmem_shared>>
    tpu.enqueue_indirect_dma source(%arg11 : memref<512xf32, #tpu.memory_space<vmem>>) target(%dma_start3A_30 : memref<1982464xf32, #tpu.memory_space<vmem_shared>>) offsets(%arg10 : memref<512xi32, #tpu.memory_space<vmem>>) semaphore(%arg17 : memref<!tpu.dma_semaphore, #tpu.memory_space<semaphore_mem>>) {add = true}
    %add3A_31 = arith.constant 1024 : i32
    %add3A_32 = arith.addi %mul3A_0, %add3A_31 : i32
    %dma_start3A_33 = tpu.memref_slice %arg2[%add3A_32] : memref<524288xi32, #tpu.memory_space<hbm>> -> memref<512xi32, #tpu.memory_space<hbm>>
    %dma_start3A_34 = tpu.memref_slice %arg2[%add3A_32] : memref<524288xi32, #tpu.memory_space<hbm>> -> memref<512xi32, #tpu.memory_space<hbm>>
    tpu.enqueue_dma source(%dma_start3A_34 : memref<512xi32, #tpu.memory_space<hbm>>) target(%arg6 : memref<512xi32, #tpu.memory_space<vmem>>) target_semaphore(%arg15 : memref<!tpu.dma_semaphore, #tpu.memory_space<semaphore_mem>>)
    %dma_start3A_35 = tpu.memref_slice %arg3[%add3A_32] : memref<524288xi32, #tpu.memory_space<hbm>> -> memref<512xi32, #tpu.memory_space<hbm>>
    %dma_start3A_36 = tpu.memref_slice %arg3[%add3A_32] : memref<524288xi32, #tpu.memory_space<hbm>> -> memref<512xi32, #tpu.memory_space<hbm>>
    tpu.enqueue_dma source(%dma_start3A_36 : memref<512xi32, #tpu.memory_space<hbm>>) target(%arg7 : memref<512xi32, #tpu.memory_space<vmem>>) target_semaphore(%arg15 : memref<!tpu.dma_semaphore, #tpu.memory_space<semaphore_mem>>)
    %dma_wait3A_37 = arith.constant 0 : i32
    %dma_wait3A_38 = tpu.memref_slice %arg2[%dma_wait3A_37] : memref<524288xi32, #tpu.memory_space<hbm>> -> memref<512xi32, #tpu.memory_space<hbm>>
    %dma_wait3A_39 = arith.constant 0 : i32
    %dma_wait3A_40 = tpu.memref_slice %arg2[%dma_wait3A_39] : memref<524288xi32, #tpu.memory_space<hbm>> -> memref<512xi32, #tpu.memory_space<hbm>>
    tpu.wait_dma2 semaphore(%arg16 : memref<!tpu.dma_semaphore, #tpu.memory_space<semaphore_mem>>) src(%dma_wait3A_40 : memref<512xi32, #tpu.memory_space<hbm>>) dst(%arg8 : memref<512xi32, #tpu.memory_space<vmem>>)
    %dma_wait3A_41 = arith.constant 0 : i32
    %dma_wait3A_42 = tpu.memref_slice %arg3[%dma_wait3A_41] : memref<524288xi32, #tpu.memory_space<hbm>> -> memref<512xi32, #tpu.memory_space<hbm>>
    %dma_wait3A_43 = arith.constant 0 : i32
    %dma_wait3A_44 = tpu.memref_slice %arg3[%dma_wait3A_43] : memref<524288xi32, #tpu.memory_space<hbm>> -> memref<512xi32, #tpu.memory_space<hbm>>
    tpu.wait_dma2 semaphore(%arg16 : memref<!tpu.dma_semaphore, #tpu.memory_space<semaphore_mem>>) src(%dma_wait3A_44 : memref<512xi32, #tpu.memory_space<hbm>>) dst(%arg9 : memref<512xi32, #tpu.memory_space<vmem>>)
    %scan3A_45 = arith.constant 0 : i32
    %scan3A_46 = arith.constant 0 : i32
    %scan3A_47 = arith.constant 32 : i32
    %scan3A_48 = arith.addi %scan3A_46, %scan3A_47 : i32
    %scan3A_49 = arith.constant 1 : i32
    scf.for %scan3A_186 = %scan3A_46 to %scan3A_48 step %scan3A_49  : i32 {
      %mul3A_187 = arith.constant 16 : i32
      %mul3A_188 = arith.muli %scan3A_186, %mul3A_187 : i32
      %get3A = arith.index_cast %mul3A_188 : i32 to index
      %get3A_189 = tpu.vector_load %arg8[%get3A] {strides = array<i32>} : memref<512xi32, #tpu.memory_space<vmem>>, vector<16xi32>,
      %get3A_190 = vector.shape_cast %get3A_189 : vector<16xi32> to vector<16xi32>
      %mul3A_191 = arith.constant 16 : i32
      %mul3A_192 = arith.muli %scan3A_186, %mul3A_191 : i32
      %get3A_193 = arith.index_cast %mul3A_192 : i32 to index
      %get3A_194 = tpu.vector_load %arg9[%get3A_193] {strides = array<i32>} : memref<512xi32, #tpu.memory_space<vmem>>, vector<16xi32>,
      %get3A_195 = vector.shape_cast %get3A_194 : vector<16xi32> to vector<16xi32>
      %mul3A_196 = arith.constant 2816 : i32
      %mul3A_197 = vector.broadcast %mul3A_196 : i32 to vector<16xi32>
      %mul3A_198 = arith.muli %get3A_195, %mul3A_197 : vector<16xi32>
      %add3A_199 = arith.addi %mul3A_198, %get3A_190 : vector<16xi32>
      %sub3A = vector.broadcast %mul3A_3 : i32 to vector<16xi32>
      %sub3A_200 = arith.subi %add3A_199, %sub3A : vector<16xi32>
      %ge3A = arith.constant 0 : i32
      %ge3A_201 = vector.broadcast %ge3A : i32 to vector<16xi32>
      %ge3A_202 = arith.cmpi sge, %sub3A_200, %ge3A_201 : vector<16xi32>
      %lt3A = arith.constant 1982464 : i32
      %lt3A_203 = vector.broadcast %lt3A : i32 to vector<16xi32>
      %lt3A_204 = arith.cmpi slt, %sub3A_200, %lt3A_203 : vector<16xi32>
      %and3A = arith.andi %ge3A_202, %lt3A_204 : vector<16xi1>
      %and3A_205 = arith.constant 1048575 : i32
      %and3A_206 = vector.broadcast %and3A_205 : i32 to vector<16xi32>
      %and3A_207 = arith.andi %sub3A_200, %and3A_206 : vector<16xi32>
      %select_n3A = arith.select %and3A, %sub3A_200, %and3A_207 : vector<16xi1>, vector<16xi32>
      %mul3A_208 = arith.constant 16 : i32
      %mul3A_209 = arith.muli %scan3A_186, %mul3A_208 : i32
      %swap3A = arith.index_cast %mul3A_209 : i32 to index
      %swap3A_210 = tpu.vector_load %arg12[%swap3A] {strides = array<i32>} : memref<512xi32, #tpu.memory_space<vmem>>, vector<16xi32>,
      %swap3A_211 = vector.shape_cast %swap3A_210 : vector<16xi32> to vector<16xi32>
      %swap3A_212 = vector.shape_cast %select_n3A : vector<16xi32> to vector<16xi32>
      tpu.vector_store %arg12[%swap3A], %swap3A_212 {strides = array<i32>} : memref<512xi32, #tpu.memory_space<vmem>>, vector<16xi32>,
      %jit3A = arith.constant 1.000000e+00 : f32
      %jit3A_213 = arith.constant 0.000000e+00 : f32
      %broadcast_in_dim3A = vector.broadcast %jit3A : f32 to vector<16xf32>
      %broadcast_in_dim3A_214 = vector.broadcast %jit3A_213 : f32 to vector<16xf32>
      %select_n3A_215 = arith.select %and3A, %broadcast_in_dim3A, %broadcast_in_dim3A_214 : vector<16xi1>, vector<16xf32>
      %mul3A_216 = arith.constant 16 : i32
      %mul3A_217 = arith.muli %scan3A_186, %mul3A_216 : i32
      %swap3A_218 = arith.index_cast %mul3A_217 : i32 to index
      %swap3A_219 = tpu.vector_load %arg13[%swap3A_218] {strides = array<i32>} : memref<512xf32, #tpu.memory_space<vmem>>, vector<16xf32>,
      %swap3A_220 = vector.shape_cast %swap3A_219 : vector<16xf32> to vector<16xf32>
      %swap3A_221 = vector.shape_cast %select_n3A_215 : vector<16xf32> to vector<16xf32>
      tpu.vector_store %arg13[%swap3A_218], %swap3A_221 {strides = array<i32>} : memref<512xf32, #tpu.memory_space<vmem>>, vector<16xf32>,
    }
    %scan3A_50 = arith.constant 32 : i32
    %dma_start3A_51 = arith.constant 0 : i32
    %dma_start3A_52 = tpu.memref_slice %arg14[%dma_start3A_51] : memref<1982464xf32, #tpu.memory_space<vmem_shared>> -> memref<1982464xf32, #tpu.memory_space<vmem_shared>>
    tpu.enqueue_indirect_dma source(%arg13 : memref<512xf32, #tpu.memory_space<vmem>>) target(%dma_start3A_52 : memref<1982464xf32, #tpu.memory_space<vmem_shared>>) offsets(%arg12 : memref<512xi32, #tpu.memory_space<vmem>>) semaphore(%arg18 : memref<!tpu.dma_semaphore, #tpu.memory_space<semaphore_mem>>) {add = true}
    %add3A_53 = arith.constant 1536 : i32
    %add3A_54 = arith.addi %mul3A_0, %add3A_53 : i32
    %dma_start3A_55 = tpu.memref_slice %arg2[%add3A_54] : memref<524288xi32, #tpu.memory_space<hbm>> -> memref<512xi32, #tpu.memory_space<hbm>>
    %dma_start3A_56 = tpu.memref_slice %arg2[%add3A_54] : memref<524288xi32, #tpu.memory_space<hbm>> -> memref<512xi32, #tpu.memory_space<hbm>>
    tpu.enqueue_dma source(%dma_start3A_56 : memref<512xi32, #tpu.memory_space<hbm>>) target(%arg8 : memref<512xi32, #tpu.memory_space<vmem>>) target_semaphore(%arg16 : memref<!tpu.dma_semaphore, #tpu.memory_space<semaphore_mem>>)
    %dma_start3A_57 = tpu.memref_slice %arg3[%add3A_54] : memref<524288xi32, #tpu.memory_space<hbm>> -> memref<512xi32, #tpu.memory_space<hbm>>
    %dma_start3A_58 = tpu.memref_slice %arg3[%add3A_54] : memref<524288xi32, #tpu.memory_space<hbm>> -> memref<512xi32, #tpu.memory_space<hbm>>
    tpu.enqueue_dma source(%dma_start3A_58 : memref<512xi32, #tpu.memory_space<hbm>>) target(%arg9 : memref<512xi32, #tpu.memory_space<vmem>>) target_semaphore(%arg16 : memref<!tpu.dma_semaphore, #tpu.memory_space<semaphore_mem>>)
    %scan3A_59 = arith.constant 0 : i32
    %scan3A_60 = arith.constant 1 : i32
    %scan3A_61 = arith.constant 30 : i32
    %scan3A_62 = arith.addi %scan3A_60, %scan3A_61 : i32
    %scan3A_63 = arith.constant 1 : i32
    scf.for %scan3A_186 = %scan3A_60 to %scan3A_62 step %scan3A_63  : i32 {
      %dma_wait3A_187 = arith.constant 0 : i32
      %dma_wait3A_188 = tpu.memref_slice %arg2[%dma_wait3A_187] : memref<524288xi32, #tpu.memory_space<hbm>> -> memref<512xi32, #tpu.memory_space<hbm>>
      %dma_wait3A_189 = arith.constant 0 : i32
      %dma_wait3A_190 = tpu.memref_slice %arg2[%dma_wait3A_189] : memref<524288xi32, #tpu.memory_space<hbm>> -> memref<512xi32, #tpu.memory_space<hbm>>
      tpu.wait_dma2 semaphore(%arg15 : memref<!tpu.dma_semaphore, #tpu.memory_space<semaphore_mem>>) src(%dma_wait3A_190 : memref<512xi32, #tpu.memory_space<hbm>>) dst(%arg6 : memref<512xi32, #tpu.memory_space<vmem>>)
      %dma_wait3A_191 = arith.constant 0 : i32
      %dma_wait3A_192 = tpu.memref_slice %arg3[%dma_wait3A_191] : memref<524288xi32, #tpu.memory_space<hbm>> -> memref<512xi32, #tpu.memory_space<hbm>>
      %dma_wait3A_193 = arith.constant 0 : i32
      %dma_wait3A_194 = tpu.memref_slice %arg3[%dma_wait3A_193] : memref<524288xi32, #tpu.memory_space<hbm>> -> memref<512xi32, #tpu.memory_space<hbm>>
      tpu.wait_dma2 semaphore(%arg15 : memref<!tpu.dma_semaphore, #tpu.memory_space<semaphore_mem>>) src(%dma_wait3A_194 : memref<512xi32, #tpu.memory_space<hbm>>) dst(%arg7 : memref<512xi32, #tpu.memory_space<vmem>>)
      %dma_wait3A_195 = arith.constant 0 : i32
      %dma_wait3A_196 = tpu.memref_slice %arg14[%dma_wait3A_195] : memref<1982464xf32, #tpu.memory_space<vmem_shared>> -> memref<1982464xf32, #tpu.memory_space<vmem_shared>>
      tpu.wait_indirect_dma semaphore(%arg17 : memref<!tpu.dma_semaphore, #tpu.memory_space<semaphore_mem>>) src(%arg11 : memref<512xf32, #tpu.memory_space<vmem>>) dst(%dma_wait3A_196 : memref<1982464xf32, #tpu.memory_space<vmem_shared>>)
      %scan3A_197 = arith.constant 0 : i32
      %scan3A_198 = arith.constant 0 : i32
      %scan3A_199 = arith.constant 32 : i32
      %scan3A_200 = arith.addi %scan3A_198, %scan3A_199 : i32
      %scan3A_201 = arith.constant 1 : i32
      scf.for %scan3A_245 = %scan3A_198 to %scan3A_200 step %scan3A_201  : i32 {
        %mul3A_246 = arith.constant 16 : i32
        %mul3A_247 = arith.muli %scan3A_245, %mul3A_246 : i32
        %get3A = arith.index_cast %mul3A_247 : i32 to index
        %get3A_248 = tpu.vector_load %arg6[%get3A] {strides = array<i32>} : memref<512xi32, #tpu.memory_space<vmem>>, vector<16xi32>,
        %get3A_249 = vector.shape_cast %get3A_248 : vector<16xi32> to vector<16xi32>
        %mul3A_250 = arith.constant 16 : i32
        %mul3A_251 = arith.muli %scan3A_245, %mul3A_250 : i32
        %get3A_252 = arith.index_cast %mul3A_251 : i32 to index
        %get3A_253 = tpu.vector_load %arg7[%get3A_252] {strides = array<i32>} : memref<512xi32, #tpu.memory_space<vmem>>, vector<16xi32>,
        %get3A_254 = vector.shape_cast %get3A_253 : vector<16xi32> to vector<16xi32>
        %mul3A_255 = arith.constant 2816 : i32
        %mul3A_256 = vector.broadcast %mul3A_255 : i32 to vector<16xi32>
        %mul3A_257 = arith.muli %get3A_254, %mul3A_256 : vector<16xi32>
        %add3A_258 = arith.addi %mul3A_257, %get3A_249 : vector<16xi32>
        %sub3A = vector.broadcast %mul3A_3 : i32 to vector<16xi32>
        %sub3A_259 = arith.subi %add3A_258, %sub3A : vector<16xi32>
        %ge3A = arith.constant 0 : i32
        %ge3A_260 = vector.broadcast %ge3A : i32 to vector<16xi32>
        %ge3A_261 = arith.cmpi sge, %sub3A_259, %ge3A_260 : vector<16xi32>
        %lt3A = arith.constant 1982464 : i32
        %lt3A_262 = vector.broadcast %lt3A : i32 to vector<16xi32>
        %lt3A_263 = arith.cmpi slt, %sub3A_259, %lt3A_262 : vector<16xi32>
        %and3A = arith.andi %ge3A_261, %lt3A_263 : vector<16xi1>
        %and3A_264 = arith.constant 1048575 : i32
        %and3A_265 = vector.broadcast %and3A_264 : i32 to vector<16xi32>
        %and3A_266 = arith.andi %sub3A_259, %and3A_265 : vector<16xi32>
        %select_n3A = arith.select %and3A, %sub3A_259, %and3A_266 : vector<16xi1>, vector<16xi32>
        %mul3A_267 = arith.constant 16 : i32
        %mul3A_268 = arith.muli %scan3A_245, %mul3A_267 : i32
        %swap3A = arith.index_cast %mul3A_268 : i32 to index
        %swap3A_269 = tpu.vector_load %arg10[%swap3A] {strides = array<i32>} : memref<512xi32, #tpu.memory_space<vmem>>, vector<16xi32>,
        %swap3A_270 = vector.shape_cast %swap3A_269 : vector<16xi32> to vector<16xi32>
        %swap3A_271 = vector.shape_cast %select_n3A : vector<16xi32> to vector<16xi32>
        tpu.vector_store %arg10[%swap3A], %swap3A_271 {strides = array<i32>} : memref<512xi32, #tpu.memory_space<vmem>>, vector<16xi32>,
        %jit3A = arith.constant 1.000000e+00 : f32
        %jit3A_272 = arith.constant 0.000000e+00 : f32
        %broadcast_in_dim3A = vector.broadcast %jit3A : f32 to vector<16xf32>
        %broadcast_in_dim3A_273 = vector.broadcast %jit3A_272 : f32 to vector<16xf32>
        %select_n3A_274 = arith.select %and3A, %broadcast_in_dim3A, %broadcast_in_dim3A_273 : vector<16xi1>, vector<16xf32>
        %mul3A_275 = arith.constant 16 : i32
        %mul3A_276 = arith.muli %scan3A_245, %mul3A_275 : i32
        %swap3A_277 = arith.index_cast %mul3A_276 : i32 to index
        %swap3A_278 = tpu.vector_load %arg11[%swap3A_277] {strides = array<i32>} : memref<512xf32, #tpu.memory_space<vmem>>, vector<16xf32>,
        %swap3A_279 = vector.shape_cast %swap3A_278 : vector<16xf32> to vector<16xf32>
        %swap3A_280 = vector.shape_cast %select_n3A_274 : vector<16xf32> to vector<16xf32>
        tpu.vector_store %arg11[%swap3A_277], %swap3A_280 {strides = array<i32>} : memref<512xf32, #tpu.memory_space<vmem>>, vector<16xf32>,
      }
      %scan3A_202 = arith.constant 32 : i32
      %dma_start3A_203 = arith.constant 0 : i32
      %dma_start3A_204 = tpu.memref_slice %arg14[%dma_start3A_203] : memref<1982464xf32, #tpu.memory_space<vmem_shared>> -> memref<1982464xf32, #tpu.memory_space<vmem_shared>>
      tpu.enqueue_indirect_dma source(%arg11 : memref<512xf32, #tpu.memory_space<vmem>>) target(%dma_start3A_204 : memref<1982464xf32, #tpu.memory_space<vmem_shared>>) offsets(%arg10 : memref<512xi32, #tpu.memory_space<vmem>>) semaphore(%arg17 : memref<!tpu.dma_semaphore, #tpu.memory_space<semaphore_mem>>) {add = true}
      %mul3A_205 = arith.constant 2 : i32
      %mul3A_206 = arith.muli %mul3A_205, %scan3A_186 : i32
      %add3A_207 = arith.constant 2 : i32
      %add3A_208 = arith.addi %mul3A_206, %add3A_207 : i32
      %mul3A_209 = arith.constant 512 : i32
      %mul3A_210 = arith.muli %add3A_208, %mul3A_209 : i32
      %add3A_211 = arith.addi %mul3A_0, %mul3A_210 : i32
      %dma_start3A_212 = tpu.memref_slice %arg2[%add3A_211] : memref<524288xi32, #tpu.memory_space<hbm>> -> memref<512xi32, #tpu.memory_space<hbm>>
      %dma_start3A_213 = tpu.memref_slice %arg2[%add3A_211] : memref<524288xi32, #tpu.memory_space<hbm>> -> memref<512xi32, #tpu.memory_space<hbm>>
      tpu.enqueue_dma source(%dma_start3A_213 : memref<512xi32, #tpu.memory_space<hbm>>) target(%arg6 : memref<512xi32, #tpu.memory_space<vmem>>) target_semaphore(%arg15 : memref<!tpu.dma_semaphore, #tpu.memory_space<semaphore_mem>>)
      %dma_start3A_214 = tpu.memref_slice %arg3[%add3A_211] : memref<524288xi32, #tpu.memory_space<hbm>> -> memref<512xi32, #tpu.memory_space<hbm>>
      %dma_start3A_215 = tpu.memref_slice %arg3[%add3A_211] : memref<524288xi32, #tpu.memory_space<hbm>> -> memref<512xi32, #tpu.memory_space<hbm>>
      tpu.enqueue_dma source(%dma_start3A_215 : memref<512xi32, #tpu.memory_space<hbm>>) target(%arg7 : memref<512xi32, #tpu.memory_space<vmem>>) target_semaphore(%arg15 : memref<!tpu.dma_semaphore, #tpu.memory_space<semaphore_mem>>)
      %dma_wait3A_216 = arith.constant 0 : i32
      %dma_wait3A_217 = tpu.memref_slice %arg2[%dma_wait3A_216] : memref<524288xi32, #tpu.memory_space<hbm>> -> memref<512xi32, #tpu.memory_space<hbm>>
      %dma_wait3A_218 = arith.constant 0 : i32
      %dma_wait3A_219 = tpu.memref_slice %arg2[%dma_wait3A_218] : memref<524288xi32, #tpu.memory_space<hbm>> -> memref<512xi32, #tpu.memory_space<hbm>>
      tpu.wait_dma2 semaphore(%arg16 : memref<!tpu.dma_semaphore, #tpu.memory_space<semaphore_mem>>) src(%dma_wait3A_219 : memref<512xi32, #tpu.memory_space<hbm>>) dst(%arg8 : memref<512xi32, #tpu.memory_space<vmem>>)
      %dma_wait3A_220 = arith.constant 0 : i32
      %dma_wait3A_221 = tpu.memref_slice %arg3[%dma_wait3A_220] : memref<524288xi32, #tpu.memory_space<hbm>> -> memref<512xi32, #tpu.memory_space<hbm>>
      %dma_wait3A_222 = arith.constant 0 : i32
      %dma_wait3A_223 = tpu.memref_slice %arg3[%dma_wait3A_222] : memref<524288xi32, #tpu.memory_space<hbm>> -> memref<512xi32, #tpu.memory_space<hbm>>
      tpu.wait_dma2 semaphore(%arg16 : memref<!tpu.dma_semaphore, #tpu.memory_space<semaphore_mem>>) src(%dma_wait3A_223 : memref<512xi32, #tpu.memory_space<hbm>>) dst(%arg9 : memref<512xi32, #tpu.memory_space<vmem>>)
      %dma_wait3A_224 = arith.constant 0 : i32
      %dma_wait3A_225 = tpu.memref_slice %arg14[%dma_wait3A_224] : memref<1982464xf32, #tpu.memory_space<vmem_shared>> -> memref<1982464xf32, #tpu.memory_space<vmem_shared>>
      tpu.wait_indirect_dma semaphore(%arg18 : memref<!tpu.dma_semaphore, #tpu.memory_space<semaphore_mem>>) src(%arg13 : memref<512xf32, #tpu.memory_space<vmem>>) dst(%dma_wait3A_225 : memref<1982464xf32, #tpu.memory_space<vmem_shared>>)
      %scan3A_226 = arith.constant 0 : i32
      %scan3A_227 = arith.constant 0 : i32
      %scan3A_228 = arith.constant 32 : i32
      %scan3A_229 = arith.addi %scan3A_227, %scan3A_228 : i32
      %scan3A_230 = arith.constant 1 : i32
      scf.for %scan3A_245 = %scan3A_227 to %scan3A_229 step %scan3A_230  : i32 {
        %mul3A_246 = arith.constant 16 : i32
        %mul3A_247 = arith.muli %scan3A_245, %mul3A_246 : i32
        %get3A = arith.index_cast %mul3A_247 : i32 to index
        %get3A_248 = tpu.vector_load %arg8[%get3A] {strides = array<i32>} : memref<512xi32, #tpu.memory_space<vmem>>, vector<16xi32>,
        %get3A_249 = vector.shape_cast %get3A_248 : vector<16xi32> to vector<16xi32>
        %mul3A_250 = arith.constant 16 : i32
        %mul3A_251 = arith.muli %scan3A_245, %mul3A_250 : i32
        %get3A_252 = arith.index_cast %mul3A_251 : i32 to index
        %get3A_253 = tpu.vector_load %arg9[%get3A_252] {strides = array<i32>} : memref<512xi32, #tpu.memory_space<vmem>>, vector<16xi32>,
        %get3A_254 = vector.shape_cast %get3A_253 : vector<16xi32> to vector<16xi32>
        %mul3A_255 = arith.constant 2816 : i32
        %mul3A_256 = vector.broadcast %mul3A_255 : i32 to vector<16xi32>
        %mul3A_257 = arith.muli %get3A_254, %mul3A_256 : vector<16xi32>
        %add3A_258 = arith.addi %mul3A_257, %get3A_249 : vector<16xi32>
        %sub3A = vector.broadcast %mul3A_3 : i32 to vector<16xi32>
        %sub3A_259 = arith.subi %add3A_258, %sub3A : vector<16xi32>
        %ge3A = arith.constant 0 : i32
        %ge3A_260 = vector.broadcast %ge3A : i32 to vector<16xi32>
        %ge3A_261 = arith.cmpi sge, %sub3A_259, %ge3A_260 : vector<16xi32>
        %lt3A = arith.constant 1982464 : i32
        %lt3A_262 = vector.broadcast %lt3A : i32 to vector<16xi32>
        %lt3A_263 = arith.cmpi slt, %sub3A_259, %lt3A_262 : vector<16xi32>
        %and3A = arith.andi %ge3A_261, %lt3A_263 : vector<16xi1>
        %and3A_264 = arith.constant 1048575 : i32
        %and3A_265 = vector.broadcast %and3A_264 : i32 to vector<16xi32>
        %and3A_266 = arith.andi %sub3A_259, %and3A_265 : vector<16xi32>
        %select_n3A = arith.select %and3A, %sub3A_259, %and3A_266 : vector<16xi1>, vector<16xi32>
        %mul3A_267 = arith.constant 16 : i32
        %mul3A_268 = arith.muli %scan3A_245, %mul3A_267 : i32
        %swap3A = arith.index_cast %mul3A_268 : i32 to index
        %swap3A_269 = tpu.vector_load %arg12[%swap3A] {strides = array<i32>} : memref<512xi32, #tpu.memory_space<vmem>>, vector<16xi32>,
        %swap3A_270 = vector.shape_cast %swap3A_269 : vector<16xi32> to vector<16xi32>
        %swap3A_271 = vector.shape_cast %select_n3A : vector<16xi32> to vector<16xi32>
        tpu.vector_store %arg12[%swap3A], %swap3A_271 {strides = array<i32>} : memref<512xi32, #tpu.memory_space<vmem>>, vector<16xi32>,
        %jit3A = arith.constant 1.000000e+00 : f32
        %jit3A_272 = arith.constant 0.000000e+00 : f32
        %broadcast_in_dim3A = vector.broadcast %jit3A : f32 to vector<16xf32>
        %broadcast_in_dim3A_273 = vector.broadcast %jit3A_272 : f32 to vector<16xf32>
        %select_n3A_274 = arith.select %and3A, %broadcast_in_dim3A, %broadcast_in_dim3A_273 : vector<16xi1>, vector<16xf32>
        %mul3A_275 = arith.constant 16 : i32
        %mul3A_276 = arith.muli %scan3A_245, %mul3A_275 : i32
        %swap3A_277 = arith.index_cast %mul3A_276 : i32 to index
        %swap3A_278 = tpu.vector_load %arg13[%swap3A_277] {strides = array<i32>} : memref<512xf32, #tpu.memory_space<vmem>>, vector<16xf32>,
        %swap3A_279 = vector.shape_cast %swap3A_278 : vector<16xf32> to vector<16xf32>
        %swap3A_280 = vector.shape_cast %select_n3A_274 : vector<16xf32> to vector<16xf32>
        tpu.vector_store %arg13[%swap3A_277], %swap3A_280 {strides = array<i32>} : memref<512xf32, #tpu.memory_space<vmem>>, vector<16xf32>,
      }
      %scan3A_231 = arith.constant 32 : i32
      %dma_start3A_232 = arith.constant 0 : i32
      %dma_start3A_233 = tpu.memref_slice %arg14[%dma_start3A_232] : memref<1982464xf32, #tpu.memory_space<vmem_shared>> -> memref<1982464xf32, #tpu.memory_space<vmem_shared>>
      tpu.enqueue_indirect_dma source(%arg13 : memref<512xf32, #tpu.memory_space<vmem>>) target(%dma_start3A_233 : memref<1982464xf32, #tpu.memory_space<vmem_shared>>) offsets(%arg12 : memref<512xi32, #tpu.memory_space<vmem>>) semaphore(%arg18 : memref<!tpu.dma_semaphore, #tpu.memory_space<semaphore_mem>>) {add = true}
      %mul3A_234 = arith.constant 2 : i32
      %mul3A_235 = arith.muli %mul3A_234, %scan3A_186 : i32
      %add3A_236 = arith.constant 3 : i32
      %add3A_237 = arith.addi %mul3A_235, %add3A_236 : i32
      %mul3A_238 = arith.constant 512 : i32
      %mul3A_239 = arith.muli %add3A_237, %mul3A_238 : i32
      %add3A_240 = arith.addi %mul3A_0, %mul3A_239 : i32
      %dma_start3A_241 = tpu.memref_slice %arg2[%add3A_240] : memref<524288xi32, #tpu.memory_space<hbm>> -> memref<512xi32, #tpu.memory_space<hbm>>
      %dma_start3A_242 = tpu.memref_slice %arg2[%add3A_240] : memref<524288xi32, #tpu.memory_space<hbm>> -> memref<512xi32, #tpu.memory_space<hbm>>
      tpu.enqueue_dma source(%dma_start3A_242 : memref<512xi32, #tpu.memory_space<hbm>>) target(%arg8 : memref<512xi32, #tpu.memory_space<vmem>>) target_semaphore(%arg16 : memref<!tpu.dma_semaphore, #tpu.memory_space<semaphore_mem>>)
      %dma_start3A_243 = tpu.memref_slice %arg3[%add3A_240] : memref<524288xi32, #tpu.memory_space<hbm>> -> memref<512xi32, #tpu.memory_space<hbm>>
      %dma_start3A_244 = tpu.memref_slice %arg3[%add3A_240] : memref<524288xi32, #tpu.memory_space<hbm>> -> memref<512xi32, #tpu.memory_space<hbm>>
      tpu.enqueue_dma source(%dma_start3A_244 : memref<512xi32, #tpu.memory_space<hbm>>) target(%arg9 : memref<512xi32, #tpu.memory_space<vmem>>) target_semaphore(%arg16 : memref<!tpu.dma_semaphore, #tpu.memory_space<semaphore_mem>>)
    }
    %scan3A_64 = arith.constant 30 : i32
    %dma_wait3A_65 = arith.constant 0 : i32
    %dma_wait3A_66 = tpu.memref_slice %arg2[%dma_wait3A_65] : memref<524288xi32, #tpu.memory_space<hbm>> -> memref<512xi32, #tpu.memory_space<hbm>>
    %dma_wait3A_67 = arith.constant 0 : i32
    %dma_wait3A_68 = tpu.memref_slice %arg2[%dma_wait3A_67] : memref<524288xi32, #tpu.memory_space<hbm>> -> memref<512xi32, #tpu.memory_space<hbm>>
    tpu.wait_dma2 semaphore(%arg15 : memref<!tpu.dma_semaphore, #tpu.memory_space<semaphore_mem>>) src(%dma_wait3A_68 : memref<512xi32, #tpu.memory_space<hbm>>) dst(%arg6 : memref<512xi32, #tpu.memory_space<vmem>>)
    %dma_wait3A_69 = arith.constant 0 : i32
    %dma_wait3A_70 = tpu.memref_slice %arg3[%dma_wait3A_69] : memref<524288xi32, #tpu.memory_space<hbm>> -> memref<512xi32, #tpu.memory_space<hbm>>
    %dma_wait3A_71 = arith.constant 0 : i32
    %dma_wait3A_72 = tpu.memref_slice %arg3[%dma_wait3A_71] : memref<524288xi32, #tpu.memory_space<hbm>> -> memref<512xi32, #tpu.memory_space<hbm>>
    tpu.wait_dma2 semaphore(%arg15 : memref<!tpu.dma_semaphore, #tpu.memory_space<semaphore_mem>>) src(%dma_wait3A_72 : memref<512xi32, #tpu.memory_space<hbm>>) dst(%arg7 : memref<512xi32, #tpu.memory_space<vmem>>)
    %dma_wait3A_73 = arith.constant 0 : i32
    %dma_wait3A_74 = tpu.memref_slice %arg2[%dma_wait3A_73] : memref<524288xi32, #tpu.memory_space<hbm>> -> memref<512xi32, #tpu.memory_space<hbm>>
    %dma_wait3A_75 = arith.constant 0 : i32
    %dma_wait3A_76 = tpu.memref_slice %arg2[%dma_wait3A_75] : memref<524288xi32, #tpu.memory_space<hbm>> -> memref<512xi32, #tpu.memory_space<hbm>>
    tpu.wait_dma2 semaphore(%arg16 : memref<!tpu.dma_semaphore, #tpu.memory_space<semaphore_mem>>) src(%dma_wait3A_76 : memref<512xi32, #tpu.memory_space<hbm>>) dst(%arg8 : memref<512xi32, #tpu.memory_space<vmem>>)
    %dma_wait3A_77 = arith.constant 0 : i32
    %dma_wait3A_78 = tpu.memref_slice %arg3[%dma_wait3A_77] : memref<524288xi32, #tpu.memory_space<hbm>> -> memref<512xi32, #tpu.memory_space<hbm>>
    %dma_wait3A_79 = arith.constant 0 : i32
    %dma_wait3A_80 = tpu.memref_slice %arg3[%dma_wait3A_79] : memref<524288xi32, #tpu.memory_space<hbm>> -> memref<512xi32, #tpu.memory_space<hbm>>
    tpu.wait_dma2 semaphore(%arg16 : memref<!tpu.dma_semaphore, #tpu.memory_space<semaphore_mem>>) src(%dma_wait3A_80 : memref<512xi32, #tpu.memory_space<hbm>>) dst(%arg9 : memref<512xi32, #tpu.memory_space<vmem>>)
    %dma_wait3A_81 = arith.constant 0 : i32
    %dma_wait3A_82 = tpu.memref_slice %arg14[%dma_wait3A_81] : memref<1982464xf32, #tpu.memory_space<vmem_shared>> -> memref<1982464xf32, #tpu.memory_space<vmem_shared>>
    tpu.wait_indirect_dma semaphore(%arg17 : memref<!tpu.dma_semaphore, #tpu.memory_space<semaphore_mem>>) src(%arg11 : memref<512xf32, #tpu.memory_space<vmem>>) dst(%dma_wait3A_82 : memref<1982464xf32, #tpu.memory_space<vmem_shared>>)
    %dma_wait3A_83 = arith.constant 0 : i32
    %dma_wait3A_84 = tpu.memref_slice %arg14[%dma_wait3A_83] : memref<1982464xf32, #tpu.memory_space<vmem_shared>> -> memref<1982464xf32, #tpu.memory_space<vmem_shared>>
    tpu.wait_indirect_dma semaphore(%arg18 : memref<!tpu.dma_semaphore, #tpu.memory_space<semaphore_mem>>) src(%arg13 : memref<512xf32, #tpu.memory_space<vmem>>) dst(%dma_wait3A_84 : memref<1982464xf32, #tpu.memory_space<vmem_shared>>)
    %barrier3A_85 = arith.constant 0 : index
    tpu.barrier barrier_id(%barrier3A_85)
    %mul3A_86 = arith.constant 123904 : i32
    %mul3A_87 = arith.muli %arg1, %mul3A_86 : i32
    %mul3A_88 = arith.constant 123904 : i32
    %mul3A_89 = arith.muli %arg1, %mul3A_88 : i32
    %add3A_90 = arith.addi %mul3A_3, %mul3A_89 : i32
    "tpu.region"() ({
      %run_scoped3A = tpu.sem_alloc : memref<!tpu.dma_semaphore, #tpu.memory_space<semaphore_mem>>
      %dma_start3A_186 = tpu.memref_slice %arg5[%add3A_90] : memref<7929856xf32, #tpu.memory_space<hbm>> -> memref<123904xf32, #tpu.memory_space<hbm>>
      %dma_start3A_187 = tpu.memref_slice %arg14[%mul3A_87] : memref<1982464xf32, #tpu.memory_space<vmem_shared>> -> memref<123904xf32, #tpu.memory_space<vmem_shared>>
      tpu.enqueue_dma source(%dma_start3A_187 : memref<123904xf32, #tpu.memory_space<vmem_shared>>) target(%dma_start3A_186 : memref<123904xf32, #tpu.memory_space<hbm>>) target_semaphore(%run_scoped3A : memref<!tpu.dma_semaphore, #tpu.memory_space<semaphore_mem>>)
      %dma_wait3A_188 = tpu.memref_slice %arg5[%add3A_90] : memref<7929856xf32, #tpu.memory_space<hbm>> -> memref<123904xf32, #tpu.memory_space<hbm>>
      %dma_wait3A_189 = tpu.memref_slice %arg14[%mul3A_87] : memref<1982464xf32, #tpu.memory_space<vmem_shared>> -> memref<123904xf32, #tpu.memory_space<vmem_shared>>
      tpu.wait_dma2 semaphore(%run_scoped3A : memref<!tpu.dma_semaphore, #tpu.memory_space<semaphore_mem>>) src(%dma_wait3A_189 : memref<123904xf32, #tpu.memory_space<vmem_shared>>) dst(%dma_wait3A_188 : memref<123904xf32, #tpu.memory_space<hbm>>)
      tpu.yield
    }) : () -> ()
    %add3A_91 = arith.constant 2 : i32
    %add3A_92 = arith.addi %add3A_91, %arg0 : i32
    %mul3A_93 = arith.constant 1982464 : i32
    %mul3A_94 = arith.muli %add3A_92, %mul3A_93 : i32
    %mul3A_95 = arith.constant 123904 : i32
    %mul3A_96 = arith.muli %arg1, %mul3A_95 : i32
    "tpu.region"() ({
      %run_scoped3A = tpu.sem_alloc : memref<!tpu.dma_semaphore, #tpu.memory_space<semaphore_mem>>
      %dma_start3A_186 = tpu.memref_slice %arg14[%mul3A_96] : memref<1982464xf32, #tpu.memory_space<vmem_shared>> -> memref<123904xf32, #tpu.memory_space<vmem_shared>>
      tpu.enqueue_dma source(%arg4 : memref<123904xf32, #tpu.memory_space<hbm>>) target(%dma_start3A_186 : memref<123904xf32, #tpu.memory_space<vmem_shared>>) target_semaphore(%run_scoped3A : memref<!tpu.dma_semaphore, #tpu.memory_space<semaphore_mem>>)
      %dma_wait3A_187 = tpu.memref_slice %arg14[%mul3A_96] : memref<1982464xf32, #tpu.memory_space<vmem_shared>> -> memref<123904xf32, #tpu.memory_space<vmem_shared>>
      tpu.wait_dma2 semaphore(%run_scoped3A : memref<!tpu.dma_semaphore, #tpu.memory_space<semaphore_mem>>) src(%arg4 : memref<123904xf32, #tpu.memory_space<hbm>>) dst(%dma_wait3A_187 : memref<123904xf32, #tpu.memory_space<vmem_shared>>)
      tpu.yield
    }) : () -> ()
    %barrier3A_97 = arith.constant 0 : index
    tpu.barrier barrier_id(%barrier3A_97)
    %add3A_98 = arith.constant 0 : i32
    %add3A_99 = arith.addi %mul3A_0, %add3A_98 : i32
    %dma_start3A_100 = tpu.memref_slice %arg2[%add3A_99] : memref<524288xi32, #tpu.memory_space<hbm>> -> memref<512xi32, #tpu.memory_space<hbm>>
    %dma_start3A_101 = tpu.memref_slice %arg2[%add3A_99] : memref<524288xi32, #tpu.memory_space<hbm>> -> memref<512xi32, #tpu.memory_space<hbm>>
    tpu.enqueue_dma source(%dma_start3A_101 : memref<512xi32, #tpu.memory_space<hbm>>) target(%arg6 : memref<512xi32, #tpu.memory_space<vmem>>) target_semaphore(%arg15 : memref<!tpu.dma_semaphore, #tpu.memory_space<semaphore_mem>>)
    %dma_start3A_102 = tpu.memref_slice %arg3[%add3A_99] : memref<524288xi32, #tpu.memory_space<hbm>> -> memref<512xi32, #tpu.memory_space<hbm>>
    %dma_start3A_103 = tpu.memref_slice %arg3[%add3A_99] : memref<524288xi32, #tpu.memory_space<hbm>> -> memref<512xi32, #tpu.memory_space<hbm>>
    tpu.enqueue_dma source(%dma_start3A_103 : memref<512xi32, #tpu.memory_space<hbm>>) target(%arg7 : memref<512xi32, #tpu.memory_space<vmem>>) target_semaphore(%arg15 : memref<!tpu.dma_semaphore, #tpu.memory_space<semaphore_mem>>)
    %add3A_104 = arith.constant 512 : i32
    %add3A_105 = arith.addi %mul3A_0, %add3A_104 : i32
    %dma_start3A_106 = tpu.memref_slice %arg2[%add3A_105] : memref<524288xi32, #tpu.memory_space<hbm>> -> memref<512xi32, #tpu.memory_space<hbm>>
    %dma_start3A_107 = tpu.memref_slice %arg2[%add3A_105] : memref<524288xi32, #tpu.memory_space<hbm>> -> memref<512xi32, #tpu.memory_space<hbm>>
    tpu.enqueue_dma source(%dma_start3A_107 : memref<512xi32, #tpu.memory_space<hbm>>) target(%arg8 : memref<512xi32, #tpu.memory_space<vmem>>) target_semaphore(%arg16 : memref<!tpu.dma_semaphore, #tpu.memory_space<semaphore_mem>>)
    %dma_start3A_108 = tpu.memref_slice %arg3[%add3A_105] : memref<524288xi32, #tpu.memory_space<hbm>> -> memref<512xi32, #tpu.memory_space<hbm>>
    %dma_start3A_109 = tpu.memref_slice %arg3[%add3A_105] : memref<524288xi32, #tpu.memory_space<hbm>> -> memref<512xi32, #tpu.memory_space<hbm>>
    tpu.enqueue_dma source(%dma_start3A_109 : memref<512xi32, #tpu.memory_space<hbm>>) target(%arg9 : memref<512xi32, #tpu.memory_space<vmem>>) target_semaphore(%arg16 : memref<!tpu.dma_semaphore, #tpu.memory_space<semaphore_mem>>)
    %dma_wait3A_110 = arith.constant 0 : i32
    %dma_wait3A_111 = tpu.memref_slice %arg2[%dma_wait3A_110] : memref<524288xi32, #tpu.memory_space<hbm>> -> memref<512xi32, #tpu.memory_space<hbm>>
    %dma_wait3A_112 = arith.constant 0 : i32
    %dma_wait3A_113 = tpu.memref_slice %arg2[%dma_wait3A_112] : memref<524288xi32, #tpu.memory_space<hbm>> -> memref<512xi32, #tpu.memory_space<hbm>>
    tpu.wait_dma2 semaphore(%arg15 : memref<!tpu.dma_semaphore, #tpu.memory_space<semaphore_mem>>) src(%dma_wait3A_113 : memref<512xi32, #tpu.memory_space<hbm>>) dst(%arg6 : memref<512xi32, #tpu.memory_space<vmem>>)
    %dma_wait3A_114 = arith.constant 0 : i32
    %dma_wait3A_115 = tpu.memref_slice %arg3[%dma_wait3A_114] : memref<524288xi32, #tpu.memory_space<hbm>> -> memref<512xi32, #tpu.memory_space<hbm>>
    %dma_wait3A_116 = arith.constant 0 : i32
    %dma_wait3A_117 = tpu.memref_slice %arg3[%dma_wait3A_116] : memref<524288xi32, #tpu.memory_space<hbm>> -> memref<512xi32, #tpu.memory_space<hbm>>
    tpu.wait_dma2 semaphore(%arg15 : memref<!tpu.dma_semaphore, #tpu.memory_space<semaphore_mem>>) src(%dma_wait3A_117 : memref<512xi32, #tpu.memory_space<hbm>>) dst(%arg7 : memref<512xi32, #tpu.memory_space<vmem>>)
    %scan3A_118 = arith.constant 0 : i32
    %scan3A_119 = arith.constant 0 : i32
    %scan3A_120 = arith.constant 32 : i32
    %scan3A_121 = arith.addi %scan3A_119, %scan3A_120 : i32
    %scan3A_122 = arith.constant 1 : i32
    scf.for %scan3A_186 = %scan3A_119 to %scan3A_121 step %scan3A_122  : i32 {
      %mul3A_187 = arith.constant 16 : i32
      %mul3A_188 = arith.muli %scan3A_186, %mul3A_187 : i32
      %get3A = arith.index_cast %mul3A_188 : i32 to index
      %get3A_189 = tpu.vector_load %arg6[%get3A] {strides = array<i32>} : memref<512xi32, #tpu.memory_space<vmem>>, vector<16xi32>,
      %get3A_190 = vector.shape_cast %get3A_189 : vector<16xi32> to vector<16xi32>
      %mul3A_191 = arith.constant 16 : i32
      %mul3A_192 = arith.muli %scan3A_186, %mul3A_191 : i32
      %get3A_193 = arith.index_cast %mul3A_192 : i32 to index
      %get3A_194 = tpu.vector_load %arg7[%get3A_193] {strides = array<i32>} : memref<512xi32, #tpu.memory_space<vmem>>, vector<16xi32>,
      %get3A_195 = vector.shape_cast %get3A_194 : vector<16xi32> to vector<16xi32>
      %mul3A_196 = arith.constant 2816 : i32
      %mul3A_197 = vector.broadcast %mul3A_196 : i32 to vector<16xi32>
      %mul3A_198 = arith.muli %get3A_195, %mul3A_197 : vector<16xi32>
      %add3A_199 = arith.addi %mul3A_198, %get3A_190 : vector<16xi32>
      %sub3A = vector.broadcast %mul3A_94 : i32 to vector<16xi32>
      %sub3A_200 = arith.subi %add3A_199, %sub3A : vector<16xi32>
      %ge3A = arith.constant 0 : i32
      %ge3A_201 = vector.broadcast %ge3A : i32 to vector<16xi32>
      %ge3A_202 = arith.cmpi sge, %sub3A_200, %ge3A_201 : vector<16xi32>
      %lt3A = arith.constant 1982464 : i32
      %lt3A_203 = vector.broadcast %lt3A : i32 to vector<16xi32>
      %lt3A_204 = arith.cmpi slt, %sub3A_200, %lt3A_203 : vector<16xi32>
      %and3A = arith.andi %ge3A_202, %lt3A_204 : vector<16xi1>
      %and3A_205 = arith.constant 1048575 : i32
      %and3A_206 = vector.broadcast %and3A_205 : i32 to vector<16xi32>
      %and3A_207 = arith.andi %sub3A_200, %and3A_206 : vector<16xi32>
      %select_n3A = arith.select %and3A, %sub3A_200, %and3A_207 : vector<16xi1>, vector<16xi32>
      %mul3A_208 = arith.constant 16 : i32
      %mul3A_209 = arith.muli %scan3A_186, %mul3A_208 : i32
      %swap3A = arith.index_cast %mul3A_209 : i32 to index
      %swap3A_210 = tpu.vector_load %arg10[%swap3A] {strides = array<i32>} : memref<512xi32, #tpu.memory_space<vmem>>, vector<16xi32>,
      %swap3A_211 = vector.shape_cast %swap3A_210 : vector<16xi32> to vector<16xi32>
      %swap3A_212 = vector.shape_cast %select_n3A : vector<16xi32> to vector<16xi32>
      tpu.vector_store %arg10[%swap3A], %swap3A_212 {strides = array<i32>} : memref<512xi32, #tpu.memory_space<vmem>>, vector<16xi32>,
      %jit3A = arith.constant 1.000000e+00 : f32
      %jit3A_213 = arith.constant 0.000000e+00 : f32
      %broadcast_in_dim3A = vector.broadcast %jit3A : f32 to vector<16xf32>
      %broadcast_in_dim3A_214 = vector.broadcast %jit3A_213 : f32 to vector<16xf32>
      %select_n3A_215 = arith.select %and3A, %broadcast_in_dim3A, %broadcast_in_dim3A_214 : vector<16xi1>, vector<16xf32>
      %mul3A_216 = arith.constant 16 : i32
      %mul3A_217 = arith.muli %scan3A_186, %mul3A_216 : i32
      %swap3A_218 = arith.index_cast %mul3A_217 : i32 to index
      %swap3A_219 = tpu.vector_load %arg11[%swap3A_218] {strides = array<i32>} : memref<512xf32, #tpu.memory_space<vmem>>, vector<16xf32>,
      %swap3A_220 = vector.shape_cast %swap3A_219 : vector<16xf32> to vector<16xf32>
      %swap3A_221 = vector.shape_cast %select_n3A_215 : vector<16xf32> to vector<16xf32>
      tpu.vector_store %arg11[%swap3A_218], %swap3A_221 {strides = array<i32>} : memref<512xf32, #tpu.memory_space<vmem>>, vector<16xf32>,
    }
    %scan3A_123 = arith.constant 32 : i32
    %dma_start3A_124 = arith.constant 0 : i32
    %dma_start3A_125 = tpu.memref_slice %arg14[%dma_start3A_124] : memref<1982464xf32, #tpu.memory_space<vmem_shared>> -> memref<1982464xf32, #tpu.memory_space<vmem_shared>>
    tpu.enqueue_indirect_dma source(%arg11 : memref<512xf32, #tpu.memory_space<vmem>>) target(%dma_start3A_125 : memref<1982464xf32, #tpu.memory_space<vmem_shared>>) offsets(%arg10 : memref<512xi32, #tpu.memory_space<vmem>>) semaphore(%arg17 : memref<!tpu.dma_semaphore, #tpu.memory_space<semaphore_mem>>) {add = true}
    %add3A_126 = arith.constant 1024 : i32
    %add3A_127 = arith.addi %mul3A_0, %add3A_126 : i32
    %dma_start3A_128 = tpu.memref_slice %arg2[%add3A_127] : memref<524288xi32, #tpu.memory_space<hbm>> -> memref<512xi32, #tpu.memory_space<hbm>>
    %dma_start3A_129 = tpu.memref_slice %arg2[%add3A_127] : memref<524288xi32, #tpu.memory_space<hbm>> -> memref<512xi32, #tpu.memory_space<hbm>>
    tpu.enqueue_dma source(%dma_start3A_129 : memref<512xi32, #tpu.memory_space<hbm>>) target(%arg6 : memref<512xi32, #tpu.memory_space<vmem>>) target_semaphore(%arg15 : memref<!tpu.dma_semaphore, #tpu.memory_space<semaphore_mem>>)
    %dma_start3A_130 = tpu.memref_slice %arg3[%add3A_127] : memref<524288xi32, #tpu.memory_space<hbm>> -> memref<512xi32, #tpu.memory_space<hbm>>
    %dma_start3A_131 = tpu.memref_slice %arg3[%add3A_127] : memref<524288xi32, #tpu.memory_space<hbm>> -> memref<512xi32, #tpu.memory_space<hbm>>
    tpu.enqueue_dma source(%dma_start3A_131 : memref<512xi32, #tpu.memory_space<hbm>>) target(%arg7 : memref<512xi32, #tpu.memory_space<vmem>>) target_semaphore(%arg15 : memref<!tpu.dma_semaphore, #tpu.memory_space<semaphore_mem>>)
    %dma_wait3A_132 = arith.constant 0 : i32
    %dma_wait3A_133 = tpu.memref_slice %arg2[%dma_wait3A_132] : memref<524288xi32, #tpu.memory_space<hbm>> -> memref<512xi32, #tpu.memory_space<hbm>>
    %dma_wait3A_134 = arith.constant 0 : i32
    %dma_wait3A_135 = tpu.memref_slice %arg2[%dma_wait3A_134] : memref<524288xi32, #tpu.memory_space<hbm>> -> memref<512xi32, #tpu.memory_space<hbm>>
    tpu.wait_dma2 semaphore(%arg16 : memref<!tpu.dma_semaphore, #tpu.memory_space<semaphore_mem>>) src(%dma_wait3A_135 : memref<512xi32, #tpu.memory_space<hbm>>) dst(%arg8 : memref<512xi32, #tpu.memory_space<vmem>>)
    %dma_wait3A_136 = arith.constant 0 : i32
    %dma_wait3A_137 = tpu.memref_slice %arg3[%dma_wait3A_136] : memref<524288xi32, #tpu.memory_space<hbm>> -> memref<512xi32, #tpu.memory_space<hbm>>
    %dma_wait3A_138 = arith.constant 0 : i32
    %dma_wait3A_139 = tpu.memref_slice %arg3[%dma_wait3A_138] : memref<524288xi32, #tpu.memory_space<hbm>> -> memref<512xi32, #tpu.memory_space<hbm>>
    tpu.wait_dma2 semaphore(%arg16 : memref<!tpu.dma_semaphore, #tpu.memory_space<semaphore_mem>>) src(%dma_wait3A_139 : memref<512xi32, #tpu.memory_space<hbm>>) dst(%arg9 : memref<512xi32, #tpu.memory_space<vmem>>)
    %scan3A_140 = arith.constant 0 : i32
    %scan3A_141 = arith.constant 0 : i32
    %scan3A_142 = arith.constant 32 : i32
    %scan3A_143 = arith.addi %scan3A_141, %scan3A_142 : i32
    %scan3A_144 = arith.constant 1 : i32
    scf.for %scan3A_186 = %scan3A_141 to %scan3A_143 step %scan3A_144  : i32 {
      %mul3A_187 = arith.constant 16 : i32
      %mul3A_188 = arith.muli %scan3A_186, %mul3A_187 : i32
      %get3A = arith.index_cast %mul3A_188 : i32 to index
      %get3A_189 = tpu.vector_load %arg8[%get3A] {strides = array<i32>} : memref<512xi32, #tpu.memory_space<vmem>>, vector<16xi32>,
      %get3A_190 = vector.shape_cast %get3A_189 : vector<16xi32> to vector<16xi32>
      %mul3A_191 = arith.constant 16 : i32
      %mul3A_192 = arith.muli %scan3A_186, %mul3A_191 : i32
      %get3A_193 = arith.index_cast %mul3A_192 : i32 to index
      %get3A_194 = tpu.vector_load %arg9[%get3A_193] {strides = array<i32>} : memref<512xi32, #tpu.memory_space<vmem>>, vector<16xi32>,
      %get3A_195 = vector.shape_cast %get3A_194 : vector<16xi32> to vector<16xi32>
      %mul3A_196 = arith.constant 2816 : i32
      %mul3A_197 = vector.broadcast %mul3A_196 : i32 to vector<16xi32>
      %mul3A_198 = arith.muli %get3A_195, %mul3A_197 : vector<16xi32>
      %add3A_199 = arith.addi %mul3A_198, %get3A_190 : vector<16xi32>
      %sub3A = vector.broadcast %mul3A_94 : i32 to vector<16xi32>
      %sub3A_200 = arith.subi %add3A_199, %sub3A : vector<16xi32>
      %ge3A = arith.constant 0 : i32
      %ge3A_201 = vector.broadcast %ge3A : i32 to vector<16xi32>
      %ge3A_202 = arith.cmpi sge, %sub3A_200, %ge3A_201 : vector<16xi32>
      %lt3A = arith.constant 1982464 : i32
      %lt3A_203 = vector.broadcast %lt3A : i32 to vector<16xi32>
      %lt3A_204 = arith.cmpi slt, %sub3A_200, %lt3A_203 : vector<16xi32>
      %and3A = arith.andi %ge3A_202, %lt3A_204 : vector<16xi1>
      %and3A_205 = arith.constant 1048575 : i32
      %and3A_206 = vector.broadcast %and3A_205 : i32 to vector<16xi32>
      %and3A_207 = arith.andi %sub3A_200, %and3A_206 : vector<16xi32>
      %select_n3A = arith.select %and3A, %sub3A_200, %and3A_207 : vector<16xi1>, vector<16xi32>
      %mul3A_208 = arith.constant 16 : i32
      %mul3A_209 = arith.muli %scan3A_186, %mul3A_208 : i32
      %swap3A = arith.index_cast %mul3A_209 : i32 to index
      %swap3A_210 = tpu.vector_load %arg12[%swap3A] {strides = array<i32>} : memref<512xi32, #tpu.memory_space<vmem>>, vector<16xi32>,
      %swap3A_211 = vector.shape_cast %swap3A_210 : vector<16xi32> to vector<16xi32>
      %swap3A_212 = vector.shape_cast %select_n3A : vector<16xi32> to vector<16xi32>
      tpu.vector_store %arg12[%swap3A], %swap3A_212 {strides = array<i32>} : memref<512xi32, #tpu.memory_space<vmem>>, vector<16xi32>,
      %jit3A = arith.constant 1.000000e+00 : f32
      %jit3A_213 = arith.constant 0.000000e+00 : f32
      %broadcast_in_dim3A = vector.broadcast %jit3A : f32 to vector<16xf32>
      %broadcast_in_dim3A_214 = vector.broadcast %jit3A_213 : f32 to vector<16xf32>
      %select_n3A_215 = arith.select %and3A, %broadcast_in_dim3A, %broadcast_in_dim3A_214 : vector<16xi1>, vector<16xf32>
      %mul3A_216 = arith.constant 16 : i32
      %mul3A_217 = arith.muli %scan3A_186, %mul3A_216 : i32
      %swap3A_218 = arith.index_cast %mul3A_217 : i32 to index
      %swap3A_219 = tpu.vector_load %arg13[%swap3A_218] {strides = array<i32>} : memref<512xf32, #tpu.memory_space<vmem>>, vector<16xf32>,
      %swap3A_220 = vector.shape_cast %swap3A_219 : vector<16xf32> to vector<16xf32>
      %swap3A_221 = vector.shape_cast %select_n3A_215 : vector<16xf32> to vector<16xf32>
      tpu.vector_store %arg13[%swap3A_218], %swap3A_221 {strides = array<i32>} : memref<512xf32, #tpu.memory_space<vmem>>, vector<16xf32>,
    }
    %scan3A_145 = arith.constant 32 : i32
    %dma_start3A_146 = arith.constant 0 : i32
    %dma_start3A_147 = tpu.memref_slice %arg14[%dma_start3A_146] : memref<1982464xf32, #tpu.memory_space<vmem_shared>> -> memref<1982464xf32, #tpu.memory_space<vmem_shared>>
    tpu.enqueue_indirect_dma source(%arg13 : memref<512xf32, #tpu.memory_space<vmem>>) target(%dma_start3A_147 : memref<1982464xf32, #tpu.memory_space<vmem_shared>>) offsets(%arg12 : memref<512xi32, #tpu.memory_space<vmem>>) semaphore(%arg18 : memref<!tpu.dma_semaphore, #tpu.memory_space<semaphore_mem>>) {add = true}
    %add3A_148 = arith.constant 1536 : i32
    %add3A_149 = arith.addi %mul3A_0, %add3A_148 : i32
    %dma_start3A_150 = tpu.memref_slice %arg2[%add3A_149] : memref<524288xi32, #tpu.memory_space<hbm>> -> memref<512xi32, #tpu.memory_space<hbm>>
    %dma_start3A_151 = tpu.memref_slice %arg2[%add3A_149] : memref<524288xi32, #tpu.memory_space<hbm>> -> memref<512xi32, #tpu.memory_space<hbm>>
    tpu.enqueue_dma source(%dma_start3A_151 : memref<512xi32, #tpu.memory_space<hbm>>) target(%arg8 : memref<512xi32, #tpu.memory_space<vmem>>) target_semaphore(%arg16 : memref<!tpu.dma_semaphore, #tpu.memory_space<semaphore_mem>>)
    %dma_start3A_152 = tpu.memref_slice %arg3[%add3A_149] : memref<524288xi32, #tpu.memory_space<hbm>> -> memref<512xi32, #tpu.memory_space<hbm>>
    %dma_start3A_153 = tpu.memref_slice %arg3[%add3A_149] : memref<524288xi32, #tpu.memory_space<hbm>> -> memref<512xi32, #tpu.memory_space<hbm>>
    tpu.enqueue_dma source(%dma_start3A_153 : memref<512xi32, #tpu.memory_space<hbm>>) target(%arg9 : memref<512xi32, #tpu.memory_space<vmem>>) target_semaphore(%arg16 : memref<!tpu.dma_semaphore, #tpu.memory_space<semaphore_mem>>)
    %scan3A_154 = arith.constant 0 : i32
    %scan3A_155 = arith.constant 1 : i32
    %scan3A_156 = arith.constant 30 : i32
    %scan3A_157 = arith.addi %scan3A_155, %scan3A_156 : i32
    %scan3A_158 = arith.constant 1 : i32
    scf.for %scan3A_186 = %scan3A_155 to %scan3A_157 step %scan3A_158  : i32 {
      %dma_wait3A_187 = arith.constant 0 : i32
      %dma_wait3A_188 = tpu.memref_slice %arg2[%dma_wait3A_187] : memref<524288xi32, #tpu.memory_space<hbm>> -> memref<512xi32, #tpu.memory_space<hbm>>
      %dma_wait3A_189 = arith.constant 0 : i32
      %dma_wait3A_190 = tpu.memref_slice %arg2[%dma_wait3A_189] : memref<524288xi32, #tpu.memory_space<hbm>> -> memref<512xi32, #tpu.memory_space<hbm>>
      tpu.wait_dma2 semaphore(%arg15 : memref<!tpu.dma_semaphore, #tpu.memory_space<semaphore_mem>>) src(%dma_wait3A_190 : memref<512xi32, #tpu.memory_space<hbm>>) dst(%arg6 : memref<512xi32, #tpu.memory_space<vmem>>)
      %dma_wait3A_191 = arith.constant 0 : i32
      %dma_wait3A_192 = tpu.memref_slice %arg3[%dma_wait3A_191] : memref<524288xi32, #tpu.memory_space<hbm>> -> memref<512xi32, #tpu.memory_space<hbm>>
      %dma_wait3A_193 = arith.constant 0 : i32
      %dma_wait3A_194 = tpu.memref_slice %arg3[%dma_wait3A_193] : memref<524288xi32, #tpu.memory_space<hbm>> -> memref<512xi32, #tpu.memory_space<hbm>>
      tpu.wait_dma2 semaphore(%arg15 : memref<!tpu.dma_semaphore, #tpu.memory_space<semaphore_mem>>) src(%dma_wait3A_194 : memref<512xi32, #tpu.memory_space<hbm>>) dst(%arg7 : memref<512xi32, #tpu.memory_space<vmem>>)
      %dma_wait3A_195 = arith.constant 0 : i32
      %dma_wait3A_196 = tpu.memref_slice %arg14[%dma_wait3A_195] : memref<1982464xf32, #tpu.memory_space<vmem_shared>> -> memref<1982464xf32, #tpu.memory_space<vmem_shared>>
      tpu.wait_indirect_dma semaphore(%arg17 : memref<!tpu.dma_semaphore, #tpu.memory_space<semaphore_mem>>) src(%arg11 : memref<512xf32, #tpu.memory_space<vmem>>) dst(%dma_wait3A_196 : memref<1982464xf32, #tpu.memory_space<vmem_shared>>)
      %scan3A_197 = arith.constant 0 : i32
      %scan3A_198 = arith.constant 0 : i32
      %scan3A_199 = arith.constant 32 : i32
      %scan3A_200 = arith.addi %scan3A_198, %scan3A_199 : i32
      %scan3A_201 = arith.constant 1 : i32
      scf.for %scan3A_245 = %scan3A_198 to %scan3A_200 step %scan3A_201  : i32 {
        %mul3A_246 = arith.constant 16 : i32
        %mul3A_247 = arith.muli %scan3A_245, %mul3A_246 : i32
        %get3A = arith.index_cast %mul3A_247 : i32 to index
        %get3A_248 = tpu.vector_load %arg6[%get3A] {strides = array<i32>} : memref<512xi32, #tpu.memory_space<vmem>>, vector<16xi32>,
        %get3A_249 = vector.shape_cast %get3A_248 : vector<16xi32> to vector<16xi32>
        %mul3A_250 = arith.constant 16 : i32
        %mul3A_251 = arith.muli %scan3A_245, %mul3A_250 : i32
        %get3A_252 = arith.index_cast %mul3A_251 : i32 to index
        %get3A_253 = tpu.vector_load %arg7[%get3A_252] {strides = array<i32>} : memref<512xi32, #tpu.memory_space<vmem>>, vector<16xi32>,
        %get3A_254 = vector.shape_cast %get3A_253 : vector<16xi32> to vector<16xi32>
        %mul3A_255 = arith.constant 2816 : i32
        %mul3A_256 = vector.broadcast %mul3A_255 : i32 to vector<16xi32>
        %mul3A_257 = arith.muli %get3A_254, %mul3A_256 : vector<16xi32>
        %add3A_258 = arith.addi %mul3A_257, %get3A_249 : vector<16xi32>
        %sub3A = vector.broadcast %mul3A_94 : i32 to vector<16xi32>
        %sub3A_259 = arith.subi %add3A_258, %sub3A : vector<16xi32>
        %ge3A = arith.constant 0 : i32
        %ge3A_260 = vector.broadcast %ge3A : i32 to vector<16xi32>
        %ge3A_261 = arith.cmpi sge, %sub3A_259, %ge3A_260 : vector<16xi32>
        %lt3A = arith.constant 1982464 : i32
        %lt3A_262 = vector.broadcast %lt3A : i32 to vector<16xi32>
        %lt3A_263 = arith.cmpi slt, %sub3A_259, %lt3A_262 : vector<16xi32>
        %and3A = arith.andi %ge3A_261, %lt3A_263 : vector<16xi1>
        %and3A_264 = arith.constant 1048575 : i32
        %and3A_265 = vector.broadcast %and3A_264 : i32 to vector<16xi32>
        %and3A_266 = arith.andi %sub3A_259, %and3A_265 : vector<16xi32>
        %select_n3A = arith.select %and3A, %sub3A_259, %and3A_266 : vector<16xi1>, vector<16xi32>
        %mul3A_267 = arith.constant 16 : i32
        %mul3A_268 = arith.muli %scan3A_245, %mul3A_267 : i32
        %swap3A = arith.index_cast %mul3A_268 : i32 to index
        %swap3A_269 = tpu.vector_load %arg10[%swap3A] {strides = array<i32>} : memref<512xi32, #tpu.memory_space<vmem>>, vector<16xi32>,
        %swap3A_270 = vector.shape_cast %swap3A_269 : vector<16xi32> to vector<16xi32>
        %swap3A_271 = vector.shape_cast %select_n3A : vector<16xi32> to vector<16xi32>
        tpu.vector_store %arg10[%swap3A], %swap3A_271 {strides = array<i32>} : memref<512xi32, #tpu.memory_space<vmem>>, vector<16xi32>,
        %jit3A = arith.constant 1.000000e+00 : f32
        %jit3A_272 = arith.constant 0.000000e+00 : f32
        %broadcast_in_dim3A = vector.broadcast %jit3A : f32 to vector<16xf32>
        %broadcast_in_dim3A_273 = vector.broadcast %jit3A_272 : f32 to vector<16xf32>
        %select_n3A_274 = arith.select %and3A, %broadcast_in_dim3A, %broadcast_in_dim3A_273 : vector<16xi1>, vector<16xf32>
        %mul3A_275 = arith.constant 16 : i32
        %mul3A_276 = arith.muli %scan3A_245, %mul3A_275 : i32
        %swap3A_277 = arith.index_cast %mul3A_276 : i32 to index
        %swap3A_278 = tpu.vector_load %arg11[%swap3A_277] {strides = array<i32>} : memref<512xf32, #tpu.memory_space<vmem>>, vector<16xf32>,
        %swap3A_279 = vector.shape_cast %swap3A_278 : vector<16xf32> to vector<16xf32>
        %swap3A_280 = vector.shape_cast %select_n3A_274 : vector<16xf32> to vector<16xf32>
        tpu.vector_store %arg11[%swap3A_277], %swap3A_280 {strides = array<i32>} : memref<512xf32, #tpu.memory_space<vmem>>, vector<16xf32>,
      }
      %scan3A_202 = arith.constant 32 : i32
      %dma_start3A_203 = arith.constant 0 : i32
      %dma_start3A_204 = tpu.memref_slice %arg14[%dma_start3A_203] : memref<1982464xf32, #tpu.memory_space<vmem_shared>> -> memref<1982464xf32, #tpu.memory_space<vmem_shared>>
      tpu.enqueue_indirect_dma source(%arg11 : memref<512xf32, #tpu.memory_space<vmem>>) target(%dma_start3A_204 : memref<1982464xf32, #tpu.memory_space<vmem_shared>>) offsets(%arg10 : memref<512xi32, #tpu.memory_space<vmem>>) semaphore(%arg17 : memref<!tpu.dma_semaphore, #tpu.memory_space<semaphore_mem>>) {add = true}
      %mul3A_205 = arith.constant 2 : i32
      %mul3A_206 = arith.muli %mul3A_205, %scan3A_186 : i32
      %add3A_207 = arith.constant 2 : i32
      %add3A_208 = arith.addi %mul3A_206, %add3A_207 : i32
      %mul3A_209 = arith.constant 512 : i32
      %mul3A_210 = arith.muli %add3A_208, %mul3A_209 : i32
      %add3A_211 = arith.addi %mul3A_0, %mul3A_210 : i32
      %dma_start3A_212 = tpu.memref_slice %arg2[%add3A_211] : memref<524288xi32, #tpu.memory_space<hbm>> -> memref<512xi32, #tpu.memory_space<hbm>>
      %dma_start3A_213 = tpu.memref_slice %arg2[%add3A_211] : memref<524288xi32, #tpu.memory_space<hbm>> -> memref<512xi32, #tpu.memory_space<hbm>>
      tpu.enqueue_dma source(%dma_start3A_213 : memref<512xi32, #tpu.memory_space<hbm>>) target(%arg6 : memref<512xi32, #tpu.memory_space<vmem>>) target_semaphore(%arg15 : memref<!tpu.dma_semaphore, #tpu.memory_space<semaphore_mem>>)
      %dma_start3A_214 = tpu.memref_slice %arg3[%add3A_211] : memref<524288xi32, #tpu.memory_space<hbm>> -> memref<512xi32, #tpu.memory_space<hbm>>
      %dma_start3A_215 = tpu.memref_slice %arg3[%add3A_211] : memref<524288xi32, #tpu.memory_space<hbm>> -> memref<512xi32, #tpu.memory_space<hbm>>
      tpu.enqueue_dma source(%dma_start3A_215 : memref<512xi32, #tpu.memory_space<hbm>>) target(%arg7 : memref<512xi32, #tpu.memory_space<vmem>>) target_semaphore(%arg15 : memref<!tpu.dma_semaphore, #tpu.memory_space<semaphore_mem>>)
      %dma_wait3A_216 = arith.constant 0 : i32
      %dma_wait3A_217 = tpu.memref_slice %arg2[%dma_wait3A_216] : memref<524288xi32, #tpu.memory_space<hbm>> -> memref<512xi32, #tpu.memory_space<hbm>>
      %dma_wait3A_218 = arith.constant 0 : i32
      %dma_wait3A_219 = tpu.memref_slice %arg2[%dma_wait3A_218] : memref<524288xi32, #tpu.memory_space<hbm>> -> memref<512xi32, #tpu.memory_space<hbm>>
      tpu.wait_dma2 semaphore(%arg16 : memref<!tpu.dma_semaphore, #tpu.memory_space<semaphore_mem>>) src(%dma_wait3A_219 : memref<512xi32, #tpu.memory_space<hbm>>) dst(%arg8 : memref<512xi32, #tpu.memory_space<vmem>>)
      %dma_wait3A_220 = arith.constant 0 : i32
      %dma_wait3A_221 = tpu.memref_slice %arg3[%dma_wait3A_220] : memref<524288xi32, #tpu.memory_space<hbm>> -> memref<512xi32, #tpu.memory_space<hbm>>
      %dma_wait3A_222 = arith.constant 0 : i32
      %dma_wait3A_223 = tpu.memref_slice %arg3[%dma_wait3A_222] : memref<524288xi32, #tpu.memory_space<hbm>> -> memref<512xi32, #tpu.memory_space<hbm>>
      tpu.wait_dma2 semaphore(%arg16 : memref<!tpu.dma_semaphore, #tpu.memory_space<semaphore_mem>>) src(%dma_wait3A_223 : memref<512xi32, #tpu.memory_space<hbm>>) dst(%arg9 : memref<512xi32, #tpu.memory_space<vmem>>)
      %dma_wait3A_224 = arith.constant 0 : i32
      %dma_wait3A_225 = tpu.memref_slice %arg14[%dma_wait3A_224] : memref<1982464xf32, #tpu.memory_space<vmem_shared>> -> memref<1982464xf32, #tpu.memory_space<vmem_shared>>
      tpu.wait_indirect_dma semaphore(%arg18 : memref<!tpu.dma_semaphore, #tpu.memory_space<semaphore_mem>>) src(%arg13 : memref<512xf32, #tpu.memory_space<vmem>>) dst(%dma_wait3A_225 : memref<1982464xf32, #tpu.memory_space<vmem_shared>>)
      %scan3A_226 = arith.constant 0 : i32
      %scan3A_227 = arith.constant 0 : i32
      %scan3A_228 = arith.constant 32 : i32
      %scan3A_229 = arith.addi %scan3A_227, %scan3A_228 : i32
      %scan3A_230 = arith.constant 1 : i32
      scf.for %scan3A_245 = %scan3A_227 to %scan3A_229 step %scan3A_230  : i32 {
        %mul3A_246 = arith.constant 16 : i32
        %mul3A_247 = arith.muli %scan3A_245, %mul3A_246 : i32
        %get3A = arith.index_cast %mul3A_247 : i32 to index
        %get3A_248 = tpu.vector_load %arg8[%get3A] {strides = array<i32>} : memref<512xi32, #tpu.memory_space<vmem>>, vector<16xi32>,
        %get3A_249 = vector.shape_cast %get3A_248 : vector<16xi32> to vector<16xi32>
        %mul3A_250 = arith.constant 16 : i32
        %mul3A_251 = arith.muli %scan3A_245, %mul3A_250 : i32
        %get3A_252 = arith.index_cast %mul3A_251 : i32 to index
        %get3A_253 = tpu.vector_load %arg9[%get3A_252] {strides = array<i32>} : memref<512xi32, #tpu.memory_space<vmem>>, vector<16xi32>,
        %get3A_254 = vector.shape_cast %get3A_253 : vector<16xi32> to vector<16xi32>
        %mul3A_255 = arith.constant 2816 : i32
        %mul3A_256 = vector.broadcast %mul3A_255 : i32 to vector<16xi32>
        %mul3A_257 = arith.muli %get3A_254, %mul3A_256 : vector<16xi32>
        %add3A_258 = arith.addi %mul3A_257, %get3A_249 : vector<16xi32>
        %sub3A = vector.broadcast %mul3A_94 : i32 to vector<16xi32>
        %sub3A_259 = arith.subi %add3A_258, %sub3A : vector<16xi32>
        %ge3A = arith.constant 0 : i32
        %ge3A_260 = vector.broadcast %ge3A : i32 to vector<16xi32>
        %ge3A_261 = arith.cmpi sge, %sub3A_259, %ge3A_260 : vector<16xi32>
        %lt3A = arith.constant 1982464 : i32
        %lt3A_262 = vector.broadcast %lt3A : i32 to vector<16xi32>
        %lt3A_263 = arith.cmpi slt, %sub3A_259, %lt3A_262 : vector<16xi32>
        %and3A = arith.andi %ge3A_261, %lt3A_263 : vector<16xi1>
        %and3A_264 = arith.constant 1048575 : i32
        %and3A_265 = vector.broadcast %and3A_264 : i32 to vector<16xi32>
        %and3A_266 = arith.andi %sub3A_259, %and3A_265 : vector<16xi32>
        %select_n3A = arith.select %and3A, %sub3A_259, %and3A_266 : vector<16xi1>, vector<16xi32>
        %mul3A_267 = arith.constant 16 : i32
        %mul3A_268 = arith.muli %scan3A_245, %mul3A_267 : i32
        %swap3A = arith.index_cast %mul3A_268 : i32 to index
        %swap3A_269 = tpu.vector_load %arg12[%swap3A] {strides = array<i32>} : memref<512xi32, #tpu.memory_space<vmem>>, vector<16xi32>,
        %swap3A_270 = vector.shape_cast %swap3A_269 : vector<16xi32> to vector<16xi32>
        %swap3A_271 = vector.shape_cast %select_n3A : vector<16xi32> to vector<16xi32>
        tpu.vector_store %arg12[%swap3A], %swap3A_271 {strides = array<i32>} : memref<512xi32, #tpu.memory_space<vmem>>, vector<16xi32>,
        %jit3A = arith.constant 1.000000e+00 : f32
        %jit3A_272 = arith.constant 0.000000e+00 : f32
        %broadcast_in_dim3A = vector.broadcast %jit3A : f32 to vector<16xf32>
        %broadcast_in_dim3A_273 = vector.broadcast %jit3A_272 : f32 to vector<16xf32>
        %select_n3A_274 = arith.select %and3A, %broadcast_in_dim3A, %broadcast_in_dim3A_273 : vector<16xi1>, vector<16xf32>
        %mul3A_275 = arith.constant 16 : i32
        %mul3A_276 = arith.muli %scan3A_245, %mul3A_275 : i32
        %swap3A_277 = arith.index_cast %mul3A_276 : i32 to index
        %swap3A_278 = tpu.vector_load %arg13[%swap3A_277] {strides = array<i32>} : memref<512xf32, #tpu.memory_space<vmem>>, vector<16xf32>,
        %swap3A_279 = vector.shape_cast %swap3A_278 : vector<16xf32> to vector<16xf32>
        %swap3A_280 = vector.shape_cast %select_n3A_274 : vector<16xf32> to vector<16xf32>
        tpu.vector_store %arg13[%swap3A_277], %swap3A_280 {strides = array<i32>} : memref<512xf32, #tpu.memory_space<vmem>>, vector<16xf32>,
      }
      %scan3A_231 = arith.constant 32 : i32
      %dma_start3A_232 = arith.constant 0 : i32
      %dma_start3A_233 = tpu.memref_slice %arg14[%dma_start3A_232] : memref<1982464xf32, #tpu.memory_space<vmem_shared>> -> memref<1982464xf32, #tpu.memory_space<vmem_shared>>
      tpu.enqueue_indirect_dma source(%arg13 : memref<512xf32, #tpu.memory_space<vmem>>) target(%dma_start3A_233 : memref<1982464xf32, #tpu.memory_space<vmem_shared>>) offsets(%arg12 : memref<512xi32, #tpu.memory_space<vmem>>) semaphore(%arg18 : memref<!tpu.dma_semaphore, #tpu.memory_space<semaphore_mem>>) {add = true}
      %mul3A_234 = arith.constant 2 : i32
      %mul3A_235 = arith.muli %mul3A_234, %scan3A_186 : i32
      %add3A_236 = arith.constant 3 : i32
      %add3A_237 = arith.addi %mul3A_235, %add3A_236 : i32
      %mul3A_238 = arith.constant 512 : i32
      %mul3A_239 = arith.muli %add3A_237, %mul3A_238 : i32
      %add3A_240 = arith.addi %mul3A_0, %mul3A_239 : i32
      %dma_start3A_241 = tpu.memref_slice %arg2[%add3A_240] : memref<524288xi32, #tpu.memory_space<hbm>> -> memref<512xi32, #tpu.memory_space<hbm>>
      %dma_start3A_242 = tpu.memref_slice %arg2[%add3A_240] : memref<524288xi32, #tpu.memory_space<hbm>> -> memref<512xi32, #tpu.memory_space<hbm>>
      tpu.enqueue_dma source(%dma_start3A_242 : memref<512xi32, #tpu.memory_space<hbm>>) target(%arg8 : memref<512xi32, #tpu.memory_space<vmem>>) target_semaphore(%arg16 : memref<!tpu.dma_semaphore, #tpu.memory_space<semaphore_mem>>)
      %dma_start3A_243 = tpu.memref_slice %arg3[%add3A_240] : memref<524288xi32, #tpu.memory_space<hbm>> -> memref<512xi32, #tpu.memory_space<hbm>>
      %dma_start3A_244 = tpu.memref_slice %arg3[%add3A_240] : memref<524288xi32, #tpu.memory_space<hbm>> -> memref<512xi32, #tpu.memory_space<hbm>>
      tpu.enqueue_dma source(%dma_start3A_244 : memref<512xi32, #tpu.memory_space<hbm>>) target(%arg9 : memref<512xi32, #tpu.memory_space<vmem>>) target_semaphore(%arg16 : memref<!tpu.dma_semaphore, #tpu.memory_space<semaphore_mem>>)
    }
    %scan3A_159 = arith.constant 30 : i32
    %dma_wait3A_160 = arith.constant 0 : i32
    %dma_wait3A_161 = tpu.memref_slice %arg2[%dma_wait3A_160] : memref<524288xi32, #tpu.memory_space<hbm>> -> memref<512xi32, #tpu.memory_space<hbm>>
    %dma_wait3A_162 = arith.constant 0 : i32
    %dma_wait3A_163 = tpu.memref_slice %arg2[%dma_wait3A_162] : memref<524288xi32, #tpu.memory_space<hbm>> -> memref<512xi32, #tpu.memory_space<hbm>>
    tpu.wait_dma2 semaphore(%arg15 : memref<!tpu.dma_semaphore, #tpu.memory_space<semaphore_mem>>) src(%dma_wait3A_163 : memref<512xi32, #tpu.memory_space<hbm>>) dst(%arg6 : memref<512xi32, #tpu.memory_space<vmem>>)
    %dma_wait3A_164 = arith.constant 0 : i32
    %dma_wait3A_165 = tpu.memref_slice %arg3[%dma_wait3A_164] : memref<524288xi32, #tpu.memory_space<hbm>> -> memref<512xi32, #tpu.memory_space<hbm>>
    %dma_wait3A_166 = arith.constant 0 : i32
    %dma_wait3A_167 = tpu.memref_slice %arg3[%dma_wait3A_166] : memref<524288xi32, #tpu.memory_space<hbm>> -> memref<512xi32, #tpu.memory_space<hbm>>
    tpu.wait_dma2 semaphore(%arg15 : memref<!tpu.dma_semaphore, #tpu.memory_space<semaphore_mem>>) src(%dma_wait3A_167 : memref<512xi32, #tpu.memory_space<hbm>>) dst(%arg7 : memref<512xi32, #tpu.memory_space<vmem>>)
    %dma_wait3A_168 = arith.constant 0 : i32
    %dma_wait3A_169 = tpu.memref_slice %arg2[%dma_wait3A_168] : memref<524288xi32, #tpu.memory_space<hbm>> -> memref<512xi32, #tpu.memory_space<hbm>>
    %dma_wait3A_170 = arith.constant 0 : i32
    %dma_wait3A_171 = tpu.memref_slice %arg2[%dma_wait3A_170] : memref<524288xi32, #tpu.memory_space<hbm>> -> memref<512xi32, #tpu.memory_space<hbm>>
    tpu.wait_dma2 semaphore(%arg16 : memref<!tpu.dma_semaphore, #tpu.memory_space<semaphore_mem>>) src(%dma_wait3A_171 : memref<512xi32, #tpu.memory_space<hbm>>) dst(%arg8 : memref<512xi32, #tpu.memory_space<vmem>>)
    %dma_wait3A_172 = arith.constant 0 : i32
    %dma_wait3A_173 = tpu.memref_slice %arg3[%dma_wait3A_172] : memref<524288xi32, #tpu.memory_space<hbm>> -> memref<512xi32, #tpu.memory_space<hbm>>
    %dma_wait3A_174 = arith.constant 0 : i32
    %dma_wait3A_175 = tpu.memref_slice %arg3[%dma_wait3A_174] : memref<524288xi32, #tpu.memory_space<hbm>> -> memref<512xi32, #tpu.memory_space<hbm>>
    tpu.wait_dma2 semaphore(%arg16 : memref<!tpu.dma_semaphore, #tpu.memory_space<semaphore_mem>>) src(%dma_wait3A_175 : memref<512xi32, #tpu.memory_space<hbm>>) dst(%arg9 : memref<512xi32, #tpu.memory_space<vmem>>)
    %dma_wait3A_176 = arith.constant 0 : i32
    %dma_wait3A_177 = tpu.memref_slice %arg14[%dma_wait3A_176] : memref<1982464xf32, #tpu.memory_space<vmem_shared>> -> memref<1982464xf32, #tpu.memory_space<vmem_shared>>
    tpu.wait_indirect_dma semaphore(%arg17 : memref<!tpu.dma_semaphore, #tpu.memory_space<semaphore_mem>>) src(%arg11 : memref<512xf32, #tpu.memory_space<vmem>>) dst(%dma_wait3A_177 : memref<1982464xf32, #tpu.memory_space<vmem_shared>>)
    %dma_wait3A_178 = arith.constant 0 : i32
    %dma_wait3A_179 = tpu.memref_slice %arg14[%dma_wait3A_178] : memref<1982464xf32, #tpu.memory_space<vmem_shared>> -> memref<1982464xf32, #tpu.memory_space<vmem_shared>>
    tpu.wait_indirect_dma semaphore(%arg18 : memref<!tpu.dma_semaphore, #tpu.memory_space<semaphore_mem>>) src(%arg13 : memref<512xf32, #tpu.memory_space<vmem>>) dst(%dma_wait3A_179 : memref<1982464xf32, #tpu.memory_space<vmem_shared>>)
    %barrier3A_180 = arith.constant 0 : index
    tpu.barrier barrier_id(%barrier3A_180)
    %mul3A_181 = arith.constant 123904 : i32
    %mul3A_182 = arith.muli %arg1, %mul3A_181 : i32
    %mul3A_183 = arith.constant 123904 : i32
    %mul3A_184 = arith.muli %arg1, %mul3A_183 : i32
    %add3A_185 = arith.addi %mul3A_94, %mul3A_184 : i32
    "tpu.region"() ({
      %run_scoped3A = tpu.sem_alloc : memref<!tpu.dma_semaphore, #tpu.memory_space<semaphore_mem>>
      %dma_start3A_186 = tpu.memref_slice %arg5[%add3A_185] : memref<7929856xf32, #tpu.memory_space<hbm>> -> memref<123904xf32, #tpu.memory_space<hbm>>
      %dma_start3A_187 = tpu.memref_slice %arg14[%mul3A_182] : memref<1982464xf32, #tpu.memory_space<vmem_shared>> -> memref<123904xf32, #tpu.memory_space<vmem_shared>>
      tpu.enqueue_dma source(%dma_start3A_187 : memref<123904xf32, #tpu.memory_space<vmem_shared>>) target(%dma_start3A_186 : memref<123904xf32, #tpu.memory_space<hbm>>) target_semaphore(%run_scoped3A : memref<!tpu.dma_semaphore, #tpu.memory_space<semaphore_mem>>)
      %dma_wait3A_188 = tpu.memref_slice %arg5[%add3A_185] : memref<7929856xf32, #tpu.memory_space<hbm>> -> memref<123904xf32, #tpu.memory_space<hbm>>
      %dma_wait3A_189 = tpu.memref_slice %arg14[%mul3A_182] : memref<1982464xf32, #tpu.memory_space<vmem_shared>> -> memref<123904xf32, #tpu.memory_space<vmem_shared>>
      tpu.wait_dma2 semaphore(%run_scoped3A : memref<!tpu.dma_semaphore, #tpu.memory_space<semaphore_mem>>) src(%dma_wait3A_189 : memref<123904xf32, #tpu.memory_space<vmem_shared>>) dst(%dma_wait3A_188 : memref<123904xf32, #tpu.memory_space<hbm>>)
      tpu.yield
    }) : () -> ()
    return
  }
}

module attributes {stable_mosaic.version = 14 : i64} {
  func.func @_mm_body(%arg0: i32, %arg1: memref<256x2816xf32, #tpu.memory_space<vmem>>, %arg2: memref<2816x128xf32, #tpu.memory_space<vmem>>, %arg3: memref<128x128xf32, #tpu.memory_space<vmem>>, %arg4: memref<1x128xf32, #tpu.memory_space<vmem>>, %arg5: memref<256x128xf32, #tpu.memory_space<vmem>>) attributes {dimension_semantics = [#tpu.dimension_semantics<arbitrary>], iteration_bounds = array<i64: 11>, scalar_prefetch = 0 : i64, scratch_operands = 0 : i64, tpu.core_type = #tpu.core_type<tc>, window_params = [{transform_indices = @transform_0, window_bounds = array<i64: 256, 2816>}, {pipeline_mode = #tpu.pipeline_mode<synchronous>, transform_indices = @transform_1, window_bounds = array<i64: 2816, 128>}, {pipeline_mode = #tpu.pipeline_mode<synchronous>, transform_indices = @transform_2, window_bounds = array<i64: 128, 128>}, {pipeline_mode = #tpu.pipeline_mode<synchronous>, transform_indices = @transform_3, window_bounds = array<i64: 1, 128>}, {transform_indices = @transform_4, window_bounds = array<i64: 256, 128>}]} {
    %get3A = arith.constant 0 : index
    %get3A_0 = arith.constant 0 : index
    %get3A_1 = vector.load %arg1[%get3A, %get3A_0] : memref<256x2816xf32, #tpu.memory_space<vmem>>, vector<256x2816xf32>
    %get3A_2 = arith.constant 0 : index
    %get3A_3 = arith.constant 0 : index
    %get3A_4 = vector.load %arg2[%get3A_2, %get3A_3] : memref<2816x128xf32, #tpu.memory_space<vmem>>, vector<2816x128xf32>
    %dot_general3A = arith.constant dense<0.000000e+00> : vector<256x128xf32>
    %dot_general3A_5 = tpu.matmul %get3A_1, %get3A_4, %dot_general3A {dimension_numbers = #tpu.dot_dimension_numbers<[1], [0], [0], [1], [0, 0, 1, 1], [], []>, transpose_lhs_hint = false} : vector<256x2816xf32>, vector<2816x128xf32>, vector<256x128xf32> -> vector<256x128xf32>
    %get3A_6 = arith.constant 0 : index
    %get3A_7 = arith.constant 0 : index
    %get3A_8 = vector.load %arg3[%get3A_6, %get3A_7] : memref<128x128xf32, #tpu.memory_space<vmem>>, vector<128x128xf32>
    %dot_general3A_9 = arith.constant dense<0.000000e+00> : vector<256x128xf32>
    %dot_general3A_10 = tpu.matmul %dot_general3A_5, %get3A_8, %dot_general3A_9 {dimension_numbers = #tpu.dot_dimension_numbers<[1], [1], [0], [0], [0, 0, 1, 0], [], []>, transpose_lhs_hint = false} : vector<256x128xf32>, vector<128x128xf32>, vector<256x128xf32> -> vector<256x128xf32>
    %reduce_sum3A = arith.constant dense<0.000000e+00> : vector<256xf32>
    %reduce_sum3A_11 = vector.multi_reduction <add>, %get3A_1, %reduce_sum3A [1] : vector<256x2816xf32> to vector<256xf32>
    %broadcast_in_dim3A = vector.shape_cast %reduce_sum3A_11 : vector<256xf32> to vector<256x1xf32>
    %get3A_12 = arith.constant 0 : index
    %get3A_13 = arith.constant 0 : index
    %get3A_14 = vector.load %arg4[%get3A_12, %get3A_13] : memref<1x128xf32, #tpu.memory_space<vmem>>, vector<1x128xf32>
    %mul3A = vector.broadcast %broadcast_in_dim3A : vector<256x1xf32> to vector<256x128xf32>
    %mul3A_15 = vector.broadcast %get3A_14 : vector<1x128xf32> to vector<256x128xf32>
    %mul3A_16 = arith.mulf %mul3A, %mul3A_15 : vector<256x128xf32>
    %add3A = arith.addf %dot_general3A_10, %mul3A_16 : vector<256x128xf32>
    %swap3A = arith.constant 0 : index
    %swap3A_17 = arith.constant 0 : index
    %swap3A_18 = vector.load %arg5[%swap3A, %swap3A_17] : memref<256x128xf32, #tpu.memory_space<vmem>>, vector<256x128xf32>
    tpu.vector_store %arg5[%swap3A, %swap3A_17], %add3A {strides = array<i32>} : memref<256x128xf32, #tpu.memory_space<vmem>>, vector<256x128xf32>,
    return
  }
  func.func @transform_0(%arg0: i32) -> (i32, i32) {
    %c0_i32 = arith.constant 0 : i32
    %c0_i32_0 = arith.constant 0 : i32
    return %arg0, %c0_i32 : i32, i32
  }
  func.func @transform_1(%arg0: i32) -> (i32, i32) {
    %c0_i32 = arith.constant 0 : i32
    %c0_i32_0 = arith.constant 0 : i32
    %c0_i32_1 = arith.constant 0 : i32
    return %c0_i32, %c0_i32_0 : i32, i32
  }
  func.func @transform_2(%arg0: i32) -> (i32, i32) {
    %c0_i32 = arith.constant 0 : i32
    %c0_i32_0 = arith.constant 0 : i32
    %c0_i32_1 = arith.constant 0 : i32
    return %c0_i32, %c0_i32_0 : i32, i32
  }
  func.func @transform_3(%arg0: i32) -> (i32, i32) {
    %c0_i32 = arith.constant 0 : i32
    %c0_i32_0 = arith.constant 0 : i32
    %c0_i32_1 = arith.constant 0 : i32
    return %c0_i32, %c0_i32_0 : i32, i32
  }
  func.func @transform_4(%arg0: i32) -> (i32, i32) {
    %c0_i32 = arith.constant 0 : i32
    %c0_i32_0 = arith.constant 0 : i32
    return %arg0, %c0_i32 : i32, i32
  }
}

</mosaic_0001>

<sc_bundles>
// kernel: kernel.4.cloned.1.call-start
scs
__scs_entry_jumppad:
0x0: {  	(pc) =	sbr.rel $0x88, $3  }
0x1: {  	(tag) =	ssettag $0x0;
	lr =	simm.s32 $0x1  }
0x2: {  	[smem:$0x3F9D] =	sst lr;
	_ =	strace $0xD0000000  }
0x3: {  	_ = 	snop  }
0x4: {  	_ = 	snop  }
0x5: {  	_ = 	snop  }
0x6: {  	_ = 	snop  }
0x7: {  	_ = 	snop  }
__scs_overlays_trampoline_lowered:
0x8: {  	[smem:$0x3FAC] =	sst s0  }
0x9: {  	[smem:$0x3FAD] =	sst s1  }
0xa: {  	[smem:$0x3FAE] =	sst s2  }
0xb: {  	[smem:$0x3FAF] =	sst s3  }
0xc: {  	[smem:$0x3FB0] =	sst s4  }
0xd: {  	[smem:$0x3FB1] =	sst s5  }
0xe: {  	[smem:$0x3FB2] =	sst s6  }
0xf: {  	[smem:$0x3FB3] =	sst s7  }
0x10: {  	[smem:$0x3FB4] =	sst s8  }
0x11: {  	[smem:$0x3FB5] =	sst s9;
	s0 =	simm.s32 @!p0 $0x0  }
0x12: {  	s1 =	sld [smem:$0x3F9B];
	s0 =	simm.s32 @p0 $0x1  }
0x13: {  	[smem:$0x3FB6] =	sst s0;
	s0 =	simm.s32 @!p1 $0x0  }
0x14: {  	s2 =	sld [smem:$0x3F9A];
	s0 =	simm.s32 @p1 $0x1  }
0x15: {  	[smem:$0x3FB7] =	sst s0;
	s0 =	simm.s32 @!p2 $0x0  }
0x16: {  	s3 =	sld [smem:$0x3FDB];
	s0 =	simm.s32 @p2 $0x1  }
0x17: {  	s4 =	simm.s32 $0x1BF5;
	[smem:$0x3FB9] =	sst s0  }
0x18: {  	s0 =	sld [smem:$0x3F9C];
	_ =	swait.ge [sflag:s4], $0x0  }
0x19: {  	s7 =	sld [smem:$0x3F9D]  }
0x1a: {  	s8 =	sadd.s32 $0xFFFFE003, lr  }
0x1b: {  	s9 =	sadd.s32 $0xFFFFFEF7, lr;
	s5 =	simm.s32 $0xFFFFFFFF;
	p2 =	slt.u32 s8, $0xFFFFF086  }
0x1c: {  	p1 =	slt.u32 s9, $0xF7A;
	s5 =	simm.s32 @!p2 $0x0  }
0x1d: {  	s5 =	simm.s32 @p1 $0x1;
	p0 =	seq.s32 s7, s2  }
0x1e: {  	s7 =	smul.u32 @!p0 $0xF7A, s2;
	p2 =	seq.s32 @!p0 s5, $0x0  }
0x1f: {  	s9 =	smul.u32 $0xF7A, s1;
	s8 =	simm.s32 @!p0 $0x1BF5;
	p2 =	por !p2, p0  }
0x20: {  	[sflag:s8] =	ssyncset.s32 @!p0 $0xFFFFF086;
	s6 =	sadd.s32 @!p0 s3, s7;
	s7 =	simm.s32 @!p0 $0x108  }
0x21: {  	s3 =	sadd.s32 s3, s9;
	s6 =	sadd.s32 @!p0 $0x88, s6;
	s7 =	simm.s32 @p2 $0x1082  }
0x22: {  	[simem:s7], [sflag:s8] =	dma.local @!p0 [hbm:s6], $0xF7A  }
0x23: {  	s9 =	sor.u32 $0xD0000000, s2;
	s6 =	simm.s32 $0x108;
	_ =	swait.ge @!p0 [sflag:s8], $0x0  }
0x24: {  	s3 =	sadd.s32 $0x88, s3;
	s6 =	simm.s32 @!p1 $0x1082;
	[sflag:s4] =	ssyncset.s32 $0xFFFFF086  }
0x25: {  	[simem:s6], [sflag:s4] =	dma.local [hbm:s3], $0xF7A  }
0x26: {  	[smem:$0x3F9D] =	sst s1;
	(tag) =	ssettag s2;
	_ =	strace s9  }
0x27: {  	s1 =	sld [smem:$0x3FAD]  }
0x28: {  	s2 =	sld [smem:$0x3FAE]  }
0x29: {  	s4 =	sld [smem:$0x3FB0]  }
0x2a: {  	p0 =	seq.s32 s5, $0x0;
	s5 =	sld [smem:$0x3FB1]  }
0x2b: {  	s6 =	sld [smem:$0x3FB2]  }
0x2c: {  	s7 =	sld [smem:$0x3FB3]  }
0x2d: {  	s3 =	simm.s32 $0x108;
	s8 =	sld [smem:$0x3FB4]  }
0x2e: {  	s3 =	simm.s32 @!p0 $0x1082;
	s9 =	sld [smem:$0x3FB5]  }
0x2f: {  	lr =	sadd.s32 s0, s3;
	s0 =	sld [smem:$0x3FAC]  }
0x30: {  	s3 =	sld [smem:$0x3FAF]  }
0x31: {  	[smem:$0x3FB8] =	sst s10  }
0x32: {  	s10 =	sld [smem:$0x3FB6];
	_ =	sdelay $0x3  }
0x33: {  	p0 =	seq.s32 s10, $0x1;
	s10 =	sld [smem:$0x3FB8];
	_ =	sdelay $0x3  }
0x34: {  	[smem:$0x3FB8] =	sst s10  }
0x35: {  	s10 =	sld [smem:$0x3FB7];
	_ =	sdelay $0x3  }
0x36: {  	p1 =	seq.s32 s10, $0x1;
	s10 =	sld [smem:$0x3FB8];
	_ =	sdelay $0x3  }
0x37: {  	[smem:$0x3FB8] =	sst s10  }
0x38: {  	s10 =	sld [smem:$0x3FB9]  }
0x39: {  	_ = 	snop;
	(pc) =	sbr.ind lr, $3  }
0x3a: {  	_ = 	snop  }
0x3b: {  	_ = 	snop  }
0x3c: {  	p2 =	seq.s32 s10, $0x1;
	s10 =	sld [smem:$0x3FB8]  }
0x3d: {  	_ =	shalt  }
0x3e: {  	_ =	shalt  }
0x3f: {  	_ =	shalt  }
0x40: {  	_ =	shalt  }
0x41: {  	_ =	shalt  }
0x42: {  	_ =	shalt  }
0x43: {  	_ =	shalt  }
0x44: {  	_ =	shalt  }
0x45: {  	_ =	shalt  }
0x46: {  	_ =	shalt  }
0x47: {  	_ =	shalt  }
0x48: {  	_ =	shalt  }
0x49: {  	_ =	shalt  }
0x4a: {  	_ =	shalt  }
0x4b: {  	_ =	shalt  }
0x4c: {  	_ =	shalt  }
0x4d: {  	_ =	shalt  }
0x4e: {  	_ =	shalt  }
0x4f: {  	_ =	shalt  }
0x50: {  	_ =	shalt  }
0x51: {  	_ =	shalt  }
0x52: {  	_ =	shalt  }
0x53: {  	_ =	shalt  }
0x54: {  	_ =	shalt  }
0x55: {  	_ =	shalt  }
0x56: {  	_ =	shalt  }
0x57: {  	_ =	shalt  }
0x58: {  	_ =	shalt  }
0x59: {  	_ =	shalt  }
0x5a: {  	_ =	shalt  }
0x5b: {  	_ =	shalt  }
0x5c: {  	_ =	shalt  }
0x5d: {  	_ =	shalt  }
0x5e: {  	_ =	shalt  }
0x5f: {  	_ =	shalt  }
0x60: {  	_ =	shalt  }
0x61: {  	_ =	shalt  }
0x62: {  	_ =	shalt  }
0x63: {  	_ =	shalt  }
0x64: {  	_ =	shalt  }
0x65: {  	_ =	shalt  }
0x66: {  	_ =	shalt  }
0x67: {  	_ =	shalt  }
0x68: {  	_ =	shalt  }
0x69: {  	_ =	shalt  }
0x6a: {  	_ =	shalt  }
0x6b: {  	_ =	shalt  }
0x6c: {  	_ =	shalt  }
0x6d: {  	_ =	shalt  }
0x6e: {  	_ =	shalt  }
0x6f: {  	_ =	shalt  }
0x70: {  	_ =	shalt  }
0x71: {  	_ =	shalt  }
0x72: {  	_ =	shalt  }
0x73: {  	_ =	shalt  }
0x74: {  	_ =	shalt  }
0x75: {  	_ =	shalt  }
0x76: {  	_ =	shalt  }
0x77: {  	_ =	shalt  }
0x78: {  	_ =	shalt  }
0x79: {  	_ =	shalt  }
0x7a: {  	_ =	shalt  }
0x7b: {  	_ =	shalt  }
0x7c: {  	_ =	shalt  }
0x7d: {  	_ =	shalt  }
0x7e: {  	_ =	shalt  }
0x7f: {  	_ =	shalt  }
0x80: {  	_ =	shalt  }
0x81: {  	_ =	shalt  }
0x82: {  	_ =	shalt  }
0x83: {  	_ =	shalt  }
0x84: {  	_ =	shalt  }
0x85: {  	_ =	shalt  }
0x86: {  	_ =	shalt  }
0x87: {  	_ =	shalt  }
.Lfunc_end0:
.L_simem_size_0:
called_computation_lowered:
.L_overlay_start_0:
0x88: {  	s2 =	sld [smem:$0x3FD9]  }
0x89: {  	s3 =	sld [smem:$0x3FFE];
	_ =	sdelay $0x1  }
0x8a: {  	s1 =	srdreg.scid  }
0x8b: {  	s0 =	sand.u32 $0x1, s1  }
0x8c: {  	s17 =	sshll.u32 s0, $0xA;
	s2 =	sadd.s32 s3, s2  }
0x8d: {  	s2 =	sadd.s32 s2, s17  }
0x8e: {  	[smem:$0x3FC4] =	sst s2  }
0x8f: {  	_ = 	snop  }
0x90: {  	s2 =	sld [smem:$0x3FD0];
	(tm) =	ssettm $0x1  }
0x91: {  	s18 =	sld [smem:$0x3FFB];
	_ =	sdelay $0x3  }
0x92: {  	_ =	strace s18  }
0x93: {  	s3 =	sld [smem:$0x3FFC];
	_ =	sdelay $0x3  }
0x94: {  	_ =	strace s3  }
0x95: {  	s3 =	sld [smem:$0x3FFD];
	_ =	sdelay $0x3  }
0x96: {  	_ =	strace s3  }
0x97: {  	_ =	strace $0x8FFFFFFF  }
0x98: {  	s19 =	sld [smem:$0x3FDB];
	_ =	sdelay $0x1  }
0x99: {  	s4 =	simm.s32 $_scs_section_size  }
0x9a: {  	s5 =	simm.s32 $_size__tile_overlayer_lowered;
	s6 =	simm.s32 $_tile_overlayer_lowered  }
0x9b: {  	s22 =	simm.s32 $0x1BFF;
	s21 =	sshll.u32 s6, $0x1;
	s3 =	sadd.s32 s4, s19  }
0x9c: {  	s7 =	simm.s32 $0x0;
	s20 =	sshll.u32 s5, $0x1;
	s5 =	sadd.s32 s21, s3  }
0x9d: {  	[timem:s7], [sflag:s22] =	dma.local [hbm:s5], s20  }
0x9e: {  	_ =	swait.ge [sflag:s22], s20  }
0x9f: {  	s4 =	ssub.s32 $0x0, s20;
	[sflag:s22] =	ssyncset.done $0x0  }
0xa0: {  	[sflag:s22] =	ssyncadd.s32 s4;
	_ =	sdelay $0x1  }
0xa1: {  	s23 =	simm.s32 $0x1B8B  }
0xa2: {  	_ =	swait.ge [sflag:s23], $0x1  }
0xa3: {  	[sflag:s23] =	ssyncset.done $0x0  }
0xa4: {  	s25 =	simm.s32 $0x1B8E;
	s24 =	sld [smem:$0x3FFE];
	[sflag:s23] =	ssyncadd.s32 $0xFFFFFFFF  }
0xa5: {  	s26 =	simm.s32 $execute0_lowered;
	[smem:$0x3FD2] =	sst s25  }
0xa6: {  	s5 =	sshll.u32 s26, $0x1;
	_ =	strace $0x80000046;
	[dreg:$0x1] =	wrdreg $0xFFFFFFFF  }
0xa7: {  	s28 =	simm.s32 $_size_execute0_lowered;
	s3 =	sadd.s32 s3, s5;
	[dreg:$0x0] =	wrdreg $0x0  }
0xa8: {  	s5 =	sshll.u32 s28, $0x1;
	[dreg:$0x2] =	wrdreg s3  }
0xa9: {  	[dreg:$0x3] =	wrdreg s5  }
0xaa: {  	[dreg:$0x4] =	wrdreg $0xC0  }
0xab: {  	_ =	task [dreg:s7], $0x5FFFF  }
0xac: {  	[dreg:$0x1] =	wrdreg $0xFFFFFFFF  }
0xad: {  	[dreg:$0x0] =	wrdreg $0x60  }
0xae: {  	[dreg:$0x2] =	wrdreg s24  }
0xaf: {  	[dreg:$0x3] =	wrdreg s2  }
0xb0: {  	[dreg:$0x4] =	wrdreg $0x10000  }
0xb1: {  	[dreg:$0x5] =	wrdreg $0x9  }
0xb2: {  	_ =	task.clear_ibuf [dreg:s7], $0x6FFFF;
	_ =	strace $0x90000046  }
0xb3: {  	s29 =	simm.s32 $0x9;
	_ =	strace $0x80000048  }
0xb4: {  	_ =	swait.ge [sflag:s29], $0x1  }
0xb5: {  	[sflag:s29] =	ssyncadd.s32 $0xFFFFFFFF  }
0xb6: {  	_ =	strace $0x90000048  }
0xb7: {  	_ =	sfence  }
0xb8: {  	s30 =	sld [smem:$0x0];
	_ =	sdelay $0x2  }
0xb9: {  	s31 =	sshll.u32 s1, $0xD;
	s1 =	sshrl.u32 s1, $0x2  }
0xba: {  	s3 =	sand.u32 $0x4000, s31;
	s1 =	sadd.s32 s1, s30  }
0xbb: {  	s0 =	sor.u32 s3, s0;
	s1 =	sshll.u32 s1, $0x11  }
0xbc: {  	s0 =	sor.u32 s1, s0  }
0xbd: {  	s0 =	sadd.s32 $0x8F2B, s0  }
0xbe: {  	[sflag:s0] =	ssyncadd.remote.s32 $0x1  }
0xbf: {  	_ =	sfence.sel $0xFFFF  }
0xc0: {  	[dreg:$0x0] =	wrdreg $0xFFFFFFFF;
	(pc) =	sbr.abs _section_cstart, $3  }
0xc1: {  	[dreg:$0x1] =	wrdreg $0xFFFFFFFF  }
0xc2: {  	_ =	task.clear_ibuf [dreg:s7], $0x2FFFF;
	_ =	strace $0x9FFFFFFF  }
0xc3: {  	(tm) =	ssettm $0x7FFFFFFF  }
tec
execute0_lowered:
.L_overlay_start_1:
0x0: {  	(tag) =	ssettag $0x1  }
0x1: {  	s0 =	rddreg [dreg:$0x0]  }
0x2: {  	s2 =	rddreg [dreg:$0x2];
	s3 =	simm.s32 $0x0  }
0x3: {  	s1 =	srdreg.scid;
	s10 =	stileid.u32;
	s22 =	simm.s32 $0x5  }
0x4: {  	s23 =	simm.s32 $0x200;
	s28 =	simm.s32 $0x800;
	s29 =	simm.s32 $0xA00  }
0x5: {  	s30 =	simm.s32 $0x2;
	s31 =	simm.s32 $0xC00;
	[smem:$0x7FF] =	sst s3  }
0x6: {  	s1 =	sand.u32 $0x1, s1;
	s5 =	sadd.s32 $0x200, s0;
	s6 =	sadd.s32 $0x10200, s0  }
0x7: {  	s0 =	sadd.s32 $0x20200, s0;
	s26 =	sshll.u32 s10, $0xF;
	s9 =	smul.u32 $0x1E400, s10  }
0x8: {  	s8 =	sshll.u32 s10, $0x6;
	s10 =	sshll.u32 s10, $0xC;
	_ =	strace $0x80000047  }
0x9: {  	s4 =	ssub.s32 $0x2, s1;
	s1 =	smul.u32 $0x1E4000, s1;
	s8 =	sor.u32 $0x1C05, s8  }
0xa: {  	s16 =	sor.u32 $0x40, s10;
	s12 =	sadd.s32 s5, s10;
	s17 =	sadd.s32 s6, s10  }
0xb: {  	s19 =	sor.u32 $0x80, s10;
	s10 =	sor.u32 $0xC0, s10;
	[dreg:$0x5] =	wrdreg s12  }
0xc: {  	s7 =	sshrl.u32 s4, $0x1;
	s11 =	sadd.s32 s9, s2;
	[dreg:$0x6] =	wrdreg s17  }
0xd: {  	s18 =	sadd.s32 s5, s16;
	s13 =	sadd.s32 s5, s19;
	s14 =	sadd.s32 s6, s19  }
0xe: {  	s15 =	sadd.s32 s5, s10;
	s17 =	sor.u32 $0x400, s26;
	[dreg:$0x4] =	wrdreg s11  }
0xf: {  	s4 =	ssub.s32 s4, s7;
	[dreg:$0x7] =	wrdreg s18;
	s11 =	sadd.s32 s6, s16  }
0x10: {  	s16 =	sadd.s32 s6, s10;
	s20 =	sadd.s32 s9, s1;
	s21 =	sadd.s32 $0x3C8000, s1  }
0x11: {  	s18 =	sor.u32 $0x600, s26;
	v0 =	vmov s1;
	s1 =	simm.s32 $0x4;
	s7 =	simm.s32 $0x0  }
0x12: {  	[dreg:$0x8] =	wrdreg s11;
	s10 =	sshrl.u32 s20, $0x3;
	s9 =	sadd.s32 s9, s21  }
0x13: {  	s26 =	smax.u32 s4, $0x1;
	s4 =	simm.s32 $0x3;
	s24 =	sadd.s32 s0, s10  }
0x14: {  	v1 =	vmov s21;
	s25 =	sshrl.u32 s9, $0x3;
	[dreg:$0xb] =	wrdreg s26;
	s26 =	simm.s32 $0x1  }
0x15: {  	v0 =	vsub.s32 $0x0, v0;
	v1 =	vsub.s32 $0x0, v1;
	[dreg:$0x9] =	wrdreg s24;
	s0 =	sadd.s32 s0, s25;
	s24 =	simm.s32 $0x400  }
0x16: {  	v2 =	vimm.f32 $0.0e+00;
	v0 =	vbroadcast v0, $0x0;
	s25 =	simm.s32 $0x600;
	v1 =	vbroadcast v1, $0x0;
	[dreg:$0xa] =	wrdreg s0;
	s0 =	simm.s32 $0xE00  }
.LBB2_1:
0x17: {  	s9 =	rddreg [dreg:$0x4]  }
0x18: {  	s10 =	rddreg [dreg:$0x1];
	s19 =	sshrl.u32 s9, $0x3  }
0x19: {  	[spmem:s19], [sflag:s8] =	dma.local [hbm:s10], $0x3C80  }
0x1a: {  	_ =	swait.ge [sflag:s22], $0x3C80  }
0x1b: {  	[sflag:s22] =	ssyncset.done $0x0  }
0x1c: {  	[sflag:s22] =	ssyncadd.s32 $0xFFFFC380  }
0x1d: {  	[bflag:$0x0] =	sbarrier.arrive $0xFFFF  }
0x1e: {  	s11 =	rddreg [dreg:$0x5]  }
0x1f: {  	[tilespmem:s3], [sflag:$0x1] =	stream.linear.gather [hbm4b:s11+s3], $0x200, $0x38;
	[tilespmem:$0x1F400] =	vst v63  }
0x20: {  	s12 =	rddreg [dreg:$0x6]  }
0x21: {  	[tilespmem:s23], [sflag:$0x1] =	stream.linear.gather [hbm4b:s12+s3], $0x200, $0x38;
	[tilespmem:$0x1F400] =	vst v63  }
0x22: {  	s20 =	rddreg [dreg:$0x7]  }
0x23: {  	[tilespmem:s24], [sflag:$0x2] =	stream.linear.gather [hbm4b:s20+s3], $0x200, $0x38;
	[tilespmem:$0x1F400] =	vst v63  }
0x24: {  	s21 =	rddreg [dreg:$0x8]  }
0x25: {  	[tilespmem:s25], [sflag:$0x2] =	stream.linear.gather [hbm4b:s21+s3], $0x200, $0x38;
	[tilespmem:$0x1F400] =	vst v63  }
0x26: {  	_ =	swait.ge [sflag:s26], $0x200  }
0x27: {  	[sflag:s26] =	ssyncset.done $0x0  }
0x28: {  	[sflag:s26] =	ssyncadd.s32 $0xFFFFFE00  }
0x29: {  	_ =	swait.ge [sflag:s26], $0x200  }
0x2a: {  	[sflag:s26] =	ssyncset.done $0x0  }
0x2b: {  	s9 =	simm.s32 $0x0;
	[sflag:s26] =	ssyncadd.s32 $0xFFFFFE00  }
0x2c: {  	v3 =	vld [tilespmem:s9+$0x200]  }
0x2d: {  	v4 =	vld [tilespmem:s9+$0x0];
	_ =	sdelay $0x3  }
0x2e: {  	v3 =	vmul.u32 $0xB00, v3  }
0x2f: {  	s20 =	simm.s32 $0x10;
	v4 =	vadd.s32 v0, v4  }
0x30: {  	v5 =	vadd.s32 v3, v4;
	v3 =	vld [tilespmem:s20+$0x200]  }
0x31: {  	v4 =	vld [tilespmem:s20+$0x0]  }
0x32: {  	vm0 =	vlt.u32 v5, $0x1E4000  }
0x33: {  	v6 =	vand.u32 $0xFFFFF, v5;
	v7 =	vsel vm0, $0x3F800000, v2  }
0x34: {  	s10 =	simm.s32 $0x80;
	v5 =	vsel vm0, v5, v6;
	[tilespmem:s9+$0xA00] =	vst v7  }
.LBB2_2:
0x35: {  	s11 =	sshra.s32 s10, $0x2;
	p0 =	sne.s32 s10, $0x7C0;
	s10 =	sadd.s32 $0x40, s10;
	v6 =	vmul.u32 $0xB00, v3;
	[tilespmem:s9+$0x800] =	vst v5  }
.Ltmp0:
0x36: {  	s9 =	smov.u32 s20;
	v3 =	vld [tilespmem:s11+$0x200];
	v5 =	vadd.s32 v0, v4;
	s20 =	smov.u32 s11;
	(pc) =	sbr.rel @p0 .LBB2_2-.Ltmp0, $4  }
0x37: {  	v4 =	vld [tilespmem:s20+$0x0];
	v5 =	vadd.s32 v6, v5  }
0x38: {  	vm0 =	vlt.u32 v5, $0x1E4000;
	v6 =	vand.u32 $0xFFFFF, v5  }
0x39: {  	v5 =	vsel vm0, v5, v6;
	v6 =	vsel vm0, $0x3F800000, v2  }
0x3a: {  	[tilespmem:s9+$0xA00] =	vst v6  }
0x3b: {  	v3 =	vmul.u32 $0xB00, v3  }
0x3c: {  	v4 =	vadd.s32 v0, v4  }
0x3d: {  	v3 =	vadd.s32 v3, v4  }
0x3e: {  	vm0 =	vlt.u32 v3, $0x1E4000  }
0x3f: {  	[tilespmem:s9+$0x800] =	vst v5;
	v4 =	vand.u32 $0xFFFFF, v3;
	v5 =	vsel vm0, $0x3F800000, v2  }
0x40: {  	v3 =	vsel vm0, v3, v4;
	[tilespmem:s20+$0xA00] =	vst v5  }
0x41: {  	[tilespmem:s20+$0x800] =	vst v3  }
0x42: {  	[spmem:s2] =	stream.indirect.scatter.add.f32 [tilespmem:s29], [sflag:$0x3], $0x1, s28, s23, $0xb8;
	[tilespmem:$0x1F400] =	vst v63  }
0x43: {  	s21 =	simm.s32 $0x0  }
0x44: {  	[tilespmem:s21], [sflag:$0x1] =	stream.linear.gather [hbm4b:s13+s21], $0x200, $0x38;
	[tilespmem:$0x1F400] =	vst v63  }
0x45: {  	_ = 	snop  }
0x46: {  	[tilespmem:s23], [sflag:$0x1] =	stream.linear.gather [hbm4b:s14+s21], $0x200, $0x38;
	[tilespmem:$0x1F400] =	vst v63  }
0x47: {  	_ =	swait.ge [sflag:s30], $0x200  }
0x48: {  	[sflag:s30] =	ssyncset.done $0x0  }
0x49: {  	[sflag:s30] =	ssyncadd.s32 $0xFFFFFE00  }
0x4a: {  	_ =	swait.ge [sflag:s30], $0x200  }
0x4b: {  	[sflag:s30] =	ssyncset.done $0x0  }
0x4c: {  	s9 =	simm.s32 $0x0;
	[sflag:s30] =	ssyncadd.s32 $0xFFFFFE00  }
0x4d: {  	v3 =	vld [tilespmem:s9+$0x600]  }
0x4e: {  	v4 =	vld [tilespmem:s9+$0x400];
	_ =	sdelay $0x3  }
0x4f: {  	v3 =	vmul.u32 $0xB00, v3  }
0x50: {  	s20 =	simm.s32 $0x10;
	v4 =	vadd.s32 v0, v4  }
0x51: {  	v5 =	vadd.s32 v3, v4;
	v3 =	vld [tilespmem:s20+$0x600]  }
0x52: {  	v4 =	vld [tilespmem:s20+$0x400]  }
0x53: {  	vm15 =	vlt.u32 v5, $0x1E4000  }
0x54: {  	v6 =	vand.u32 $0xFFFFF, v5;
	v7 =	vsel vm15, $0x3F800000, v2  }
0x55: {  	s10 =	simm.s32 $0x80;
	v5 =	vsel vm15, v5, v6;
	[tilespmem:s9+$0xE00] =	vst v7  }
.LBB2_4:
0x56: {  	s11 =	sshra.s32 s10, $0x2;
	p0 =	sne.s32 s10, $0x7C0;
	s10 =	sadd.s32 $0x40, s10;
	v6 =	vmul.u32 $0xB00, v3;
	[tilespmem:s9+$0xC00] =	vst v5  }
.Ltmp1:
0x57: {  	s9 =	smov.u32 s20;
	v3 =	vld [tilespmem:s11+$0x600];
	v5 =	vadd.s32 v0, v4;
	s20 =	smov.u32 s11;
	(pc) =	sbr.rel @p0 .LBB2_4-.Ltmp1, $4  }
0x58: {  	v4 =	vld [tilespmem:s20+$0x400];
	v5 =	vadd.s32 v6, v5  }
0x59: {  	vm0 =	vlt.u32 v5, $0x1E4000;
	v6 =	vand.u32 $0xFFFFF, v5  }
0x5a: {  	v5 =	vsel vm0, v5, v6;
	v6 =	vsel vm0, $0x3F800000, v2  }
0x5b: {  	[tilespmem:s9+$0xE00] =	vst v6  }
0x5c: {  	v3 =	vmul.u32 $0xB00, v3  }
0x5d: {  	v4 =	vadd.s32 v0, v4  }
0x5e: {  	v3 =	vadd.s32 v3, v4  }
0x5f: {  	vm0 =	vlt.u32 v3, $0x1E4000  }
0x60: {  	[tilespmem:s9+$0xC00] =	vst v5;
	v4 =	vand.u32 $0xFFFFF, v3;
	v63 =	vsel vm0, $0x3F800000, v2  }
0x61: {  	v3 =	vsel vm0, v3, v4;
	[tilespmem:s20+$0xE00] =	vst v63  }
0x62: {  	[tilespmem:s20+$0xC00] =	vst v3  }
0x63: {  	[spmem:s2] =	stream.indirect.scatter.add.f32 [tilespmem:s0], [sflag:$0x4], $0x1, s31, s23, $0xb8;
	[tilespmem:$0x1F400] =	vst v63  }
0x64: {  	_ = 	snop  }
0x65: {  	[tilespmem:s24], [sflag:$0x2] =	stream.linear.gather [hbm4b:s15+s3], $0x200, $0x38;
	[tilespmem:$0x1F400] =	vst v63  }
0x66: {  	s20 =	simm.s32 $0x1  }
0x67: {  	[tilespmem:s25], [sflag:$0x2] =	stream.linear.gather [hbm4b:s16+s3], $0x200, $0x38;
	[tilespmem:$0x1F400] =	vst v63  }
.LBB2_6:
0x68: {  	_ =	swait.ge [sflag:s26], $0x200  }
0x69: {  	[sflag:s26] =	ssyncset.done $0x0  }
0x6a: {  	[sflag:s26] =	ssyncadd.s32 $0xFFFFFE00  }
0x6b: {  	_ =	swait.ge [sflag:s26], $0x200  }
0x6c: {  	[sflag:s26] =	ssyncset.done $0x0  }
0x6d: {  	[sflag:s26] =	ssyncadd.s32 $0xFFFFFE00  }
0x6e: {  	_ =	swait.ge [sflag:s4], $0x200  }
0x6f: {  	[sflag:s4] =	ssyncset.done $0x0  }
0x70: {  	s9 =	simm.s32 $0x0;
	[sflag:s4] =	ssyncadd.s32 $0xFFFFFE00  }
0x71: {  	v3 =	vld [tilespmem:s9+$0x200]  }
0x72: {  	v4 =	vld [tilespmem:s9+$0x0];
	_ =	sdelay $0x3  }
0x73: {  	v3 =	vmul.u32 $0xB00, v3  }
0x74: {  	s21 =	simm.s32 $0x10;
	v4 =	vadd.s32 v0, v4  }
0x75: {  	v5 =	vadd.s32 v3, v4;
	v3 =	vld [tilespmem:s21+$0x200]  }
0x76: {  	v4 =	vld [tilespmem:s21+$0x0]  }
0x77: {  	vm0 =	vlt.u32 v5, $0x1E4000  }
0x78: {  	v6 =	vand.u32 $0xFFFFF, v5;
	v7 =	vsel vm0, $0x3F800000, v2  }
0x79: {  	s10 =	simm.s32 $0x80;
	v5 =	vsel vm0, v5, v6;
	[tilespmem:s9+$0xA00] =	vst v7  }
.LBB2_7:
0x7a: {  	s11 =	sshra.s32 s10, $0x2;
	p0 =	sne.s32 s10, $0x7C0;
	s10 =	sadd.s32 $0x40, s10;
	v6 =	vmul.u32 $0xB00, v3;
	[tilespmem:s9+$0x800] =	vst v5  }
.Ltmp2:
0x7b: {  	s9 =	smov.u32 s21;
	v3 =	vld [tilespmem:s11+$0x200];
	v5 =	vadd.s32 v0, v4;
	s21 =	smov.u32 s11;
	(pc) =	sbr.rel @p0 .LBB2_7-.Ltmp2, $4  }
0x7c: {  	v4 =	vld [tilespmem:s21+$0x0];
	v5 =	vadd.s32 v6, v5  }
0x7d: {  	vm0 =	vlt.u32 v5, $0x1E4000;
	v6 =	vand.u32 $0xFFFFF, v5  }
0x7e: {  	v5 =	vsel vm0, v5, v6;
	v6 =	vsel vm0, $0x3F800000, v2  }
0x7f: {  	[tilespmem:s9+$0xA00] =	vst v6  }
0x80: {  	v3 =	vmul.u32 $0xB00, v3  }
0x81: {  	v4 =	vadd.s32 v0, v4  }
0x82: {  	v3 =	vadd.s32 v3, v4  }
0x83: {  	vm0 =	vlt.u32 v3, $0x1E4000  }
0x84: {  	[tilespmem:s9+$0x800] =	vst v5;
	v4 =	vand.u32 $0xFFFFF, v3;
	v5 =	vsel vm0, $0x3F800000, v2  }
0x85: {  	v3 =	vsel vm0, v3, v4;
	[tilespmem:s21+$0xA00] =	vst v5  }
0x86: {  	[tilespmem:s21+$0x800] =	vst v3;
	s21 =	sshll.u32 s20, $0xA  }
0x87: {  	[spmem:s2] =	stream.indirect.scatter.add.f32 [tilespmem:s29], [sflag:$0x3], $0x1, s28, s23, $0xb8;
	[tilespmem:$0x1F400] =	vst v63  }
0x88: {  	s12 =	sadd.s32 s21, s17  }
0x89: {  	s9 =	sshrl.u32 s12, $0x3  }
0x8a: {  	s11 =	simm.s32 $0x0;
	s10 =	sadd.s32 s5, s9  }
0x8b: {  	[tilespmem:s11], [sflag:$0x1] =	stream.linear.gather [hbm4b:s10+s11], $0x200, $0x38;
	[tilespmem:$0x1F400] =	vst v63  }
0x8c: {  	s9 =	sadd.s32 s6, s9  }
0x8d: {  	[tilespmem:s23], [sflag:$0x1] =	stream.linear.gather [hbm4b:s9+s11], $0x200, $0x38;
	[tilespmem:$0x1F400] =	vst v63  }
0x8e: {  	_ =	swait.ge [sflag:s30], $0x200  }
0x8f: {  	[sflag:s30] =	ssyncset.done $0x0  }
0x90: {  	[sflag:s30] =	ssyncadd.s32 $0xFFFFFE00  }
0x91: {  	_ =	swait.ge [sflag:s30], $0x200  }
0x92: {  	[sflag:s30] =	ssyncset.done $0x0  }
0x93: {  	[sflag:s30] =	ssyncadd.s32 $0xFFFFFE00  }
0x94: {  	_ =	swait.ge [sflag:s1], $0x200  }
0x95: {  	[sflag:s1] =	ssyncset.done $0x0  }
0x96: {  	s10 =	simm.s32 $0x0;
	[sflag:s1] =	ssyncadd.s32 $0xFFFFFE00  }
0x97: {  	v3 =	vld [tilespmem:s10+$0x600]  }
0x98: {  	v4 =	vld [tilespmem:s10+$0x400];
	_ =	sdelay $0x3  }
0x99: {  	v3 =	vmul.u32 $0xB00, v3  }
0x9a: {  	s9 =	simm.s32 $0x10;
	v4 =	vadd.s32 v0, v4  }
0x9b: {  	v5 =	vadd.s32 v3, v4;
	v3 =	vld [tilespmem:s9+$0x600]  }
0x9c: {  	v4 =	vld [tilespmem:s9+$0x400]  }
0x9d: {  	vm15 =	vlt.u32 v5, $0x1E4000  }
0x9e: {  	v6 =	vand.u32 $0xFFFFF, v5;
	v7 =	vsel vm15, $0x3F800000, v2  }
0x9f: {  	s11 =	simm.s32 $0x80;
	v5 =	vsel vm15, v5, v6;
	[tilespmem:s10+$0xE00] =	vst v7  }
.LBB2_9:
0xa0: {  	s12 =	sshra.s32 s11, $0x2;
	p0 =	sne.s32 s11, $0x7C0;
	s11 =	sadd.s32 $0x40, s11;
	v6 =	vmul.u32 $0xB00, v3;
	[tilespmem:s10+$0xC00] =	vst v5  }
.Ltmp3:
0xa1: {  	s10 =	smov.u32 s9;
	v3 =	vld [tilespmem:s12+$0x600];
	v5 =	vadd.s32 v0, v4;
	s9 =	smov.u32 s12;
	(pc) =	sbr.rel @p0 .LBB2_9-.Ltmp3, $4  }
0xa2: {  	v4 =	vld [tilespmem:s9+$0x400];
	v5 =	vadd.s32 v6, v5  }
0xa3: {  	vm0 =	vlt.u32 v5, $0x1E4000;
	v6 =	vand.u32 $0xFFFFF, v5  }
0xa4: {  	v5 =	vsel vm0, v5, v6;
	v6 =	vsel vm0, $0x3F800000, v2  }
0xa5: {  	[tilespmem:s10+$0xE00] =	vst v6  }
0xa6: {  	v3 =	vmul.u32 $0xB00, v3  }
0xa7: {  	v4 =	vadd.s32 v0, v4  }
0xa8: {  	v3 =	vadd.s32 v3, v4  }
0xa9: {  	vm0 =	vlt.u32 v3, $0x1E4000  }
0xaa: {  	[tilespmem:s10+$0xC00] =	vst v5;
	v4 =	vand.u32 $0xFFFFF, v3;
	v63 =	vsel vm0, $0x3F800000, v2  }
0xab: {  	s20 =	sadd.s32 $0x1, s20;
	v3 =	vsel vm0, v3, v4;
	[tilespmem:s9+$0xE00] =	vst v63  }
0xac: {  	s12 =	sadd.s32 s21, s18;
	p0 =	sne.s32 s20, $0x1F;
	[tilespmem:s9+$0xC00] =	vst v3  }
0xad: {  	[spmem:s2] =	stream.indirect.scatter.add.f32 [tilespmem:s0], [sflag:$0x4], $0x1, s31, s23, $0xb8;
	[tilespmem:$0x1F400] =	vst v63  }
.Ltmp4:
0xae: {  	s9 =	sshrl.u32 s12, $0x3;
	(pc) =	sbr.rel @p0 .LBB2_6-.Ltmp4, $4  }
0xaf: {  	s21 =	sadd.s32 s5, s9  }
0xb0: {  	[tilespmem:s24], [sflag:$0x2] =	stream.linear.gather [hbm4b:s21+s3], $0x200, $0x38;
	[tilespmem:$0x1F400] =	vst v63  }
0xb1: {  	s9 =	sadd.s32 s6, s9  }
0xb2: {  	[tilespmem:s25], [sflag:$0x2] =	stream.linear.gather [hbm4b:s9+s3], $0x200, $0x38;
	[tilespmem:$0x1F400] =	vst v63  }
0xb3: {  	_ =	swait.ge [sflag:s26], $0x200  }
0xb4: {  	[sflag:s26] =	ssyncset.done $0x0  }
0xb5: {  	[sflag:s26] =	ssyncadd.s32 $0xFFFFFE00  }
0xb6: {  	_ =	swait.ge [sflag:s26], $0x200  }
0xb7: {  	[sflag:s26] =	ssyncset.done $0x0  }
0xb8: {  	[sflag:s26] =	ssyncadd.s32 $0xFFFFFE00  }
0xb9: {  	_ =	swait.ge [sflag:s30], $0x200  }
0xba: {  	[sflag:s30] =	ssyncset.done $0x0  }
0xbb: {  	[sflag:s30] =	ssyncadd.s32 $0xFFFFFE00  }
0xbc: {  	_ =	swait.ge [sflag:s30], $0x200  }
0xbd: {  	[sflag:s30] =	ssyncset.done $0x0  }
0xbe: {  	[sflag:s30] =	ssyncadd.s32 $0xFFFFFE00  }
0xbf: {  	_ =	swait.ge [sflag:s4], $0x200  }
0xc0: {  	[sflag:s4] =	ssyncset.done $0x0  }
0xc1: {  	[sflag:s4] =	ssyncadd.s32 $0xFFFFFE00  }
0xc2: {  	_ =	swait.ge [sflag:s1], $0x200  }
0xc3: {  	[sflag:s1] =	ssyncset.done $0x0  }
0xc4: {  	[sflag:s1] =	ssyncadd.s32 $0xFFFFFE00  }
0xc5: {  	[bflag:$0x0] =	sbarrier.arrive $0xFFFF  }
0xc6: {  	s9 =	rddreg [dreg:$0x9]  }
0xc7: {  	[hbm:s9], [sflag:s8] =	dma.local [spmem:s19], $0x3C80  }
0xc8: {  	_ =	swait.ge [sflag:s22], $0x3C80  }
0xc9: {  	[sflag:s22] =	ssyncset.done $0x0  }
0xca: {  	[sflag:s22] =	ssyncadd.s32 $0xFFFFC380  }
0xcb: {  	s10 =	rddreg [dreg:$0x1]  }
0xcc: {  	[spmem:s19], [sflag:s8] =	dma.local [hbm:s10], $0x3C80  }
0xcd: {  	_ =	swait.ge [sflag:s22], $0x3C80  }
0xce: {  	[sflag:s22] =	ssyncset.done $0x0  }
0xcf: {  	[sflag:s22] =	ssyncadd.s32 $0xFFFFC380  }
0xd0: {  	[bflag:$0x0] =	sbarrier.arrive $0xFFFF  }
0xd1: {  	s11 =	simm.s32 $0x0;
	s10 =	rddreg [dreg:$0x5]  }
0xd2: {  	[tilespmem:s11], [sflag:$0x1] =	stream.linear.gather [hbm4b:s10+s11], $0x200, $0x38;
	[tilespmem:$0x1F400] =	vst v63  }
0xd3: {  	s12 =	rddreg [dreg:$0x6]  }
0xd4: {  	[tilespmem:s23], [sflag:$0x1] =	stream.linear.gather [hbm4b:s12+s11], $0x200, $0x38;
	[tilespmem:$0x1F400] =	vst v63  }
0xd5: {  	s20 =	rddreg [dreg:$0x7]  }
0xd6: {  	[tilespmem:s24], [sflag:$0x2] =	stream.linear.gather [hbm4b:s20+s11], $0x200, $0x38;
	[tilespmem:$0x1F400] =	vst v63  }
0xd7: {  	s21 =	rddreg [dreg:$0x8]  }
0xd8: {  	[tilespmem:s25], [sflag:$0x2] =	stream.linear.gather [hbm4b:s21+s11], $0x200, $0x38;
	[tilespmem:$0x1F400] =	vst v63  }
0xd9: {  	_ =	swait.ge [sflag:s26], $0x200  }
0xda: {  	[sflag:s26] =	ssyncset.done $0x0  }
0xdb: {  	[sflag:s26] =	ssyncadd.s32 $0xFFFFFE00  }
0xdc: {  	_ =	swait.ge [sflag:s26], $0x200  }
0xdd: {  	[sflag:s26] =	ssyncset.done $0x0  }
0xde: {  	s10 =	simm.s32 $0x0;
	[sflag:s26] =	ssyncadd.s32 $0xFFFFFE00  }
0xdf: {  	v3 =	vld [tilespmem:s10+$0x200]  }
0xe0: {  	v4 =	vld [tilespmem:s10+$0x0];
	_ =	sdelay $0x3  }
0xe1: {  	v3 =	vmul.u32 $0xB00, v3  }
0xe2: {  	s9 =	simm.s32 $0x10;
	v4 =	vadd.s32 v1, v4  }
0xe3: {  	v5 =	vadd.s32 v3, v4;
	v3 =	vld [tilespmem:s9+$0x200]  }
0xe4: {  	v4 =	vld [tilespmem:s9+$0x0]  }
0xe5: {  	vm0 =	vlt.u32 v5, $0x1E4000  }
0xe6: {  	v6 =	vand.u32 $0xFFFFF, v5;
	v7 =	vsel vm0, $0x3F800000, v2  }
0xe7: {  	s11 =	simm.s32 $0x80;
	v5 =	vsel vm0, v5, v6;
	[tilespmem:s10+$0xA00] =	vst v7  }
.LBB2_12:
0xe8: {  	s12 =	sshra.s32 s11, $0x2;
	p0 =	sne.s32 s11, $0x7C0;
	s11 =	sadd.s32 $0x40, s11;
	v6 =	vmul.u32 $0xB00, v3;
	[tilespmem:s10+$0x800] =	vst v5  }
.Ltmp5:
0xe9: {  	s10 =	smov.u32 s9;
	v3 =	vld [tilespmem:s12+$0x200];
	v5 =	vadd.s32 v1, v4;
	s9 =	smov.u32 s12;
	(pc) =	sbr.rel @p0 .LBB2_12-.Ltmp5, $4  }
0xea: {  	v4 =	vld [tilespmem:s9+$0x0];
	v5 =	vadd.s32 v6, v5  }
0xeb: {  	vm0 =	vlt.u32 v5, $0x1E4000;
	v6 =	vand.u32 $0xFFFFF, v5  }
0xec: {  	v5 =	vsel vm0, v5, v6;
	v6 =	vsel vm0, $0x3F800000, v2  }
0xed: {  	[tilespmem:s10+$0xA00] =	vst v6  }
0xee: {  	v3 =	vmul.u32 $0xB00, v3  }
0xef: {  	v4 =	vadd.s32 v1, v4  }
0xf0: {  	v3 =	vadd.s32 v3, v4  }
0xf1: {  	vm0 =	vlt.u32 v3, $0x1E4000  }
0xf2: {  	[tilespmem:s10+$0x800] =	vst v5;
	v4 =	vand.u32 $0xFFFFF, v3;
	v5 =	vsel vm0, $0x3F800000, v2  }
0xf3: {  	v3 =	vsel vm0, v3, v4;
	[tilespmem:s9+$0xA00] =	vst v5  }
0xf4: {  	[tilespmem:s9+$0x800] =	vst v3  }
0xf5: {  	[spmem:s2] =	stream.indirect.scatter.add.f32 [tilespmem:s29], [sflag:$0x3], $0x1, s28, s23, $0xb8;
	[tilespmem:$0x1F400] =	vst v63  }
0xf6: {  	s21 =	simm.s32 $0x0  }
0xf7: {  	[tilespmem:s21], [sflag:$0x1] =	stream.linear.gather [hbm4b:s13+s21], $0x200, $0x38;
	[tilespmem:$0x1F400] =	vst v63  }
0xf8: {  	_ = 	snop  }
0xf9: {  	[tilespmem:s23], [sflag:$0x1] =	stream.linear.gather [hbm4b:s14+s21], $0x200, $0x38;
	[tilespmem:$0x1F400] =	vst v63  }
0xfa: {  	_ =	swait.ge [sflag:s30], $0x200  }
0xfb: {  	[sflag:s30] =	ssyncset.done $0x0  }
0xfc: {  	[sflag:s30] =	ssyncadd.s32 $0xFFFFFE00  }
0xfd: {  	_ =	swait.ge [sflag:s30], $0x200  }
0xfe: {  	[sflag:s30] =	ssyncset.done $0x0  }
0xff: {  	s10 =	simm.s32 $0x0;
	[sflag:s30] =	ssyncadd.s32 $0xFFFFFE00  }
0x100: {  	v3 =	vld [tilespmem:s10+$0x600]  }
0x101: {  	v4 =	vld [tilespmem:s10+$0x400];
	_ =	sdelay $0x3  }
0x102: {  	v3 =	vmul.u32 $0xB00, v3  }
0x103: {  	s9 =	simm.s32 $0x10;
	v4 =	vadd.s32 v1, v4  }
0x104: {  	v5 =	vadd.s32 v3, v4;
	v3 =	vld [tilespmem:s9+$0x600]  }
0x105: {  	v4 =	vld [tilespmem:s9+$0x400]  }
0x106: {  	vm15 =	vlt.u32 v5, $0x1E4000  }
0x107: {  	v6 =	vand.u32 $0xFFFFF, v5;
	v7 =	vsel vm15, $0x3F800000, v2  }
0x108: {  	s11 =	simm.s32 $0x80;
	v5 =	vsel vm15, v5, v6;
	[tilespmem:s10+$0xE00] =	vst v7  }
.LBB2_14:
0x109: {  	s12 =	sshra.s32 s11, $0x2;
	p0 =	sne.s32 s11, $0x7C0;
	s11 =	sadd.s32 $0x40, s11;
	v6 =	vmul.u32 $0xB00, v3;
	[tilespmem:s10+$0xC00] =	vst v5  }
.Ltmp6:
0x10a: {  	s10 =	smov.u32 s9;
	v3 =	vld [tilespmem:s12+$0x600];
	v5 =	vadd.s32 v1, v4;
	s9 =	smov.u32 s12;
	(pc) =	sbr.rel @p0 .LBB2_14-.Ltmp6, $4  }
0x10b: {  	v4 =	vld [tilespmem:s9+$0x400];
	v5 =	vadd.s32 v6, v5  }
0x10c: {  	vm0 =	vlt.u32 v5, $0x1E4000;
	v6 =	vand.u32 $0xFFFFF, v5  }
0x10d: {  	v5 =	vsel vm0, v5, v6;
	v6 =	vsel vm0, $0x3F800000, v2  }
0x10e: {  	[tilespmem:s10+$0xE00] =	vst v6  }
0x10f: {  	v3 =	vmul.u32 $0xB00, v3  }
0x110: {  	v4 =	vadd.s32 v1, v4  }
0x111: {  	v3 =	vadd.s32 v3, v4  }
0x112: {  	vm0 =	vlt.u32 v3, $0x1E4000  }
0x113: {  	[tilespmem:s10+$0xC00] =	vst v5;
	v4 =	vand.u32 $0xFFFFF, v3;
	v63 =	vsel vm0, $0x3F800000, v2  }
0x114: {  	v3 =	vsel vm0, v3, v4;
	[tilespmem:s9+$0xE00] =	vst v63  }
0x115: {  	[tilespmem:s9+$0xC00] =	vst v3  }
0x116: {  	[spmem:s2] =	stream.indirect.scatter.add.f32 [tilespmem:s0], [sflag:$0x4], $0x1, s31, s23, $0xb8;
	[tilespmem:$0x1F400] =	vst v63  }
0x117: {  	_ = 	snop  }
0x118: {  	[tilespmem:s24], [sflag:$0x2] =	stream.linear.gather [hbm4b:s15+s3], $0x200, $0x38;
	[tilespmem:$0x1F400] =	vst v63  }
0x119: {  	s20 =	simm.s32 $0x1  }
0x11a: {  	[tilespmem:s25], [sflag:$0x2] =	stream.linear.gather [hbm4b:s16+s3], $0x200, $0x38;
	[tilespmem:$0x1F400] =	vst v63  }
.LBB2_16:
0x11b: {  	_ =	swait.ge [sflag:s26], $0x200  }
0x11c: {  	[sflag:s26] =	ssyncset.done $0x0  }
0x11d: {  	[sflag:s26] =	ssyncadd.s32 $0xFFFFFE00  }
0x11e: {  	_ =	swait.ge [sflag:s26], $0x200  }
0x11f: {  	[sflag:s26] =	ssyncset.done $0x0  }
0x120: {  	[sflag:s26] =	ssyncadd.s32 $0xFFFFFE00  }
0x121: {  	_ =	swait.ge [sflag:s4], $0x200  }
0x122: {  	[sflag:s4] =	ssyncset.done $0x0  }
0x123: {  	s10 =	simm.s32 $0x0;
	[sflag:s4] =	ssyncadd.s32 $0xFFFFFE00  }
0x124: {  	v3 =	vld [tilespmem:s10+$0x200]  }
0x125: {  	v4 =	vld [tilespmem:s10+$0x0];
	_ =	sdelay $0x3  }
0x126: {  	v3 =	vmul.u32 $0xB00, v3  }
0x127: {  	s9 =	simm.s32 $0x10;
	v4 =	vadd.s32 v1, v4  }
0x128: {  	v5 =	vadd.s32 v3, v4;
	v3 =	vld [tilespmem:s9+$0x200]  }
0x129: {  	v4 =	vld [tilespmem:s9+$0x0]  }
0x12a: {  	vm0 =	vlt.u32 v5, $0x1E4000  }
0x12b: {  	v6 =	vand.u32 $0xFFFFF, v5;
	v7 =	vsel vm0, $0x3F800000, v2  }
0x12c: {  	s11 =	simm.s32 $0x80;
	v5 =	vsel vm0, v5, v6;
	[tilespmem:s10+$0xA00] =	vst v7  }
.LBB2_17:
0x12d: {  	s12 =	sshra.s32 s11, $0x2;
	p0 =	sne.s32 s11, $0x7C0;
	s11 =	sadd.s32 $0x40, s11;
	v6 =	vmul.u32 $0xB00, v3;
	[tilespmem:s10+$0x800] =	vst v5  }
.Ltmp7:
0x12e: {  	s10 =	smov.u32 s9;
	v3 =	vld [tilespmem:s12+$0x200];
	v5 =	vadd.s32 v1, v4;
	s9 =	smov.u32 s12;
	(pc) =	sbr.rel @p0 .LBB2_17-.Ltmp7, $4  }
0x12f: {  	v4 =	vld [tilespmem:s9+$0x0];
	v5 =	vadd.s32 v6, v5  }
0x130: {  	vm0 =	vlt.u32 v5, $0x1E4000;
	v6 =	vand.u32 $0xFFFFF, v5  }
0x131: {  	v5 =	vsel vm0, v5, v6;
	v6 =	vsel vm0, $0x3F800000, v2  }
0x132: {  	[tilespmem:s10+$0xA00] =	vst v6  }
0x133: {  	v3 =	vmul.u32 $0xB00, v3  }
0x134: {  	v4 =	vadd.s32 v1, v4  }
0x135: {  	v3 =	vadd.s32 v3, v4  }
0x136: {  	vm0 =	vlt.u32 v3, $0x1E4000  }
0x137: {  	[tilespmem:s10+$0x800] =	vst v5;
	s21 =	sshll.u32 s20, $0xA;
	v4 =	vand.u32 $0xFFFFF, v3;
	v5 =	vsel vm0, $0x3F800000, v2  }
0x138: {  	s11 =	sadd.s32 s21, s17;
	v3 =	vsel vm0, v3, v4;
	[tilespmem:s9+$0xA00] =	vst v5  }
0x139: {  	[tilespmem:s9+$0x800] =	vst v3;
	s9 =	sshrl.u32 s11, $0x3  }
0x13a: {  	[spmem:s2] =	stream.indirect.scatter.add.f32 [tilespmem:s29], [sflag:$0x3], $0x1, s28, s23, $0xb8;
	[tilespmem:$0x1F400] =	vst v63  }
0x13b: {  	s11 =	simm.s32 $0x0;
	s12 =	sadd.s32 s5, s9  }
0x13c: {  	[tilespmem:s11], [sflag:$0x1] =	stream.linear.gather [hbm4b:s12+s11], $0x200, $0x38;
	[tilespmem:$0x1F400] =	vst v63  }
0x13d: {  	s9 =	sadd.s32 s6, s9  }
0x13e: {  	[tilespmem:s23], [sflag:$0x1] =	stream.linear.gather [hbm4b:s9+s11], $0x200, $0x38;
	[tilespmem:$0x1F400] =	vst v63  }
0x13f: {  	_ =	swait.ge [sflag:s30], $0x200  }
0x140: {  	[sflag:s30] =	ssyncset.done $0x0  }
0x141: {  	[sflag:s30] =	ssyncadd.s32 $0xFFFFFE00  }
0x142: {  	_ =	swait.ge [sflag:s30], $0x200  }
0x143: {  	[sflag:s30] =	ssyncset.done $0x0  }
0x144: {  	[sflag:s30] =	ssyncadd.s32 $0xFFFFFE00  }
0x145: {  	_ =	swait.ge [sflag:s1], $0x200  }
0x146: {  	[sflag:s1] =	ssyncset.done $0x0  }
0x147: {  	s10 =	simm.s32 $0x0;
	[sflag:s1] =	ssyncadd.s32 $0xFFFFFE00  }
0x148: {  	v3 =	vld [tilespmem:s10+$0x600]  }
0x149: {  	v4 =	vld [tilespmem:s10+$0x400];
	_ =	sdelay $0x3  }
0x14a: {  	v3 =	vmul.u32 $0xB00, v3  }
0x14b: {  	s9 =	simm.s32 $0x10;
	v4 =	vadd.s32 v1, v4  }
0x14c: {  	v5 =	vadd.s32 v3, v4;
	v3 =	vld [tilespmem:s9+$0x600]  }
0x14d: {  	v4 =	vld [tilespmem:s9+$0x400]  }
0x14e: {  	vm15 =	vlt.u32 v5, $0x1E4000  }
0x14f: {  	v6 =	vand.u32 $0xFFFFF, v5;
	v7 =	vsel vm15, $0x3F800000, v2  }
0x150: {  	s11 =	simm.s32 $0x80;
	v5 =	vsel vm15, v5, v6;
	[tilespmem:s10+$0xE00] =	vst v7  }
.LBB2_19:
0x151: {  	s12 =	sshra.s32 s11, $0x2;
	p0 =	sne.s32 s11, $0x7C0;
	s11 =	sadd.s32 $0x40, s11;
	v6 =	vmul.u32 $0xB00, v3;
	[tilespmem:s10+$0xC00] =	vst v5  }
.Ltmp8:
0x152: {  	s10 =	smov.u32 s9;
	v3 =	vld [tilespmem:s12+$0x600];
	v5 =	vadd.s32 v1, v4;
	s9 =	smov.u32 s12;
	(pc) =	sbr.rel @p0 .LBB2_19-.Ltmp8, $4  }
0x153: {  	v4 =	vld [tilespmem:s9+$0x400];
	v5 =	vadd.s32 v6, v5  }
0x154: {  	vm0 =	vlt.u32 v5, $0x1E4000;
	v6 =	vand.u32 $0xFFFFF, v5  }
0x155: {  	v5 =	vsel vm0, v5, v6;
	v6 =	vsel vm0, $0x3F800000, v2  }
0x156: {  	[tilespmem:s10+$0xE00] =	vst v6  }
0x157: {  	v3 =	vmul.u32 $0xB00, v3  }
0x158: {  	v4 =	vadd.s32 v1, v4  }
0x159: {  	v3 =	vadd.s32 v3, v4  }
0x15a: {  	vm0 =	vlt.u32 v3, $0x1E4000  }
0x15b: {  	[tilespmem:s10+$0xC00] =	vst v5;
	v4 =	vand.u32 $0xFFFFF, v3;
	v63 =	vsel vm0, $0x3F800000, v2  }
0x15c: {  	s20 =	sadd.s32 $0x1, s20;
	v3 =	vsel vm0, v3, v4;
	[tilespmem:s9+$0xE00] =	vst v63  }
0x15d: {  	s12 =	sadd.s32 s21, s18;
	p0 =	sne.s32 s20, $0x1F;
	[tilespmem:s9+$0xC00] =	vst v3  }
0x15e: {  	[spmem:s2] =	stream.indirect.scatter.add.f32 [tilespmem:s0], [sflag:$0x4], $0x1, s31, s23, $0xb8;
	[tilespmem:$0x1F400] =	vst v63  }
.Ltmp9:
0x15f: {  	s9 =	sshrl.u32 s12, $0x3;
	(pc) =	sbr.rel @p0 .LBB2_16-.Ltmp9, $4  }
0x160: {  	s21 =	sadd.s32 s5, s9  }
0x161: {  	[tilespmem:s24], [sflag:$0x2] =	stream.linear.gather [hbm4b:s21+s3], $0x200, $0x38;
	[tilespmem:$0x1F400] =	vst v63  }
0x162: {  	s9 =	sadd.s32 s6, s9  }
0x163: {  	[tilespmem:s25], [sflag:$0x2] =	stream.linear.gather [hbm4b:s9+s3], $0x200, $0x38;
	[tilespmem:$0x1F400] =	vst v63  }
0x164: {  	_ =	swait.ge [sflag:s26], $0x200  }
0x165: {  	[sflag:s26] =	ssyncset.done $0x0  }
0x166: {  	[sflag:s26] =	ssyncadd.s32 $0xFFFFFE00  }
0x167: {  	_ =	swait.ge [sflag:s26], $0x200  }
0x168: {  	[sflag:s26] =	ssyncset.done $0x0  }
0x169: {  	[sflag:s26] =	ssyncadd.s32 $0xFFFFFE00  }
0x16a: {  	_ =	swait.ge [sflag:s30], $0x200  }
0x16b: {  	[sflag:s30] =	ssyncset.done $0x0  }
0x16c: {  	[sflag:s30] =	ssyncadd.s32 $0xFFFFFE00  }
0x16d: {  	_ =	swait.ge [sflag:s30], $0x200  }
0x16e: {  	[sflag:s30] =	ssyncset.done $0x0  }
0x16f: {  	[sflag:s30] =	ssyncadd.s32 $0xFFFFFE00  }
0x170: {  	_ =	swait.ge [sflag:s4], $0x200  }
0x171: {  	[sflag:s4] =	ssyncset.done $0x0  }
0x172: {  	[sflag:s4] =	ssyncadd.s32 $0xFFFFFE00  }
0x173: {  	_ =	swait.ge [sflag:s1], $0x200  }
0x174: {  	[sflag:s1] =	ssyncset.done $0x0  }
0x175: {  	[sflag:s1] =	ssyncadd.s32 $0xFFFFFE00  }
0x176: {  	[bflag:$0x0] =	sbarrier.arrive $0xFFFF  }
0x177: {  	s9 =	rddreg [dreg:$0xa]  }
0x178: {  	[hbm:s9], [sflag:s8] =	dma.local [spmem:s19], $0x3C80  }
0x179: {  	_ =	swait.ge [sflag:s22], $0x3C80  }
0x17a: {  	s7 =	sadd.s32 $0x1, s7;
	s21 =	rddreg [dreg:$0xb]  }
0x17b: {  	p0 =	sne.s32 s7, s21  }
.Ltmp10:
0x17c: {  	_ = 	snop;
	(pc) =	sbr.rel @p0 .LBB2_1-.Ltmp10, $3  }
0x17d: {  	_ =	sdelay $0x1  }
0x17e: {  	[sflag:s22] =	ssyncset.done $0x0  }
0x17f: {  	[sflag:s22] =	ssyncadd.s32 $0xFFFFC380  }
0x180: {  	_ =	sfence.sel $0x180000  }
0x181: {  	[bflag:$0x0] =	sbarrier.arrive $0xFFFF  }
0x182: {  	_ =	strace $0x90000047  }
0x183: {  	s0 =	stileid.u32;
	[bflag:$0x2] =	sbarrier.arrive $0xFFFF  }
0x184: {  	p0 =	sne.s32 s0, $0x0;
	s0 =	rddreg [dreg:$0x3]  }
0x185: {  	s0 =	sadd.s32 @!p0 $0x100000, s0  }
0x186: {  	[sflag:s0] =	ssyncadd.tile.s32 @!p0 $0x1;
	_ =	shalt  }
.Lfunc_end2:
_tile_overlayer_lowered:
.L_overlay_start_2:
0x187: {  	(tag) =	ssettag $0x2  }
0x188: {  	s0 =	rddreg [dreg:$0x0];
	s2 =	stileid.u32  }
0x189: {  	s1 =	rddreg [dreg:$0x1];
	p0 =	sne.s32 s2, $0x0  }
0x18a: {  	s3 =	rddreg [dreg:$0x2];
	[bflag:$0x3] =	sbarrier.arrive $0xFFFF;
	s2 =	simm.s32 @!p0 $0x1C05  }
0x18b: {  	[timem:s3], [sflag:s2] =	dma.local @!p0 [hbm:s0], s1  }
0x18c: {  	s0 =	simm.s32 @!p0 $0x5  }
0x18d: {  	_ =	swait.ge @!p0 [sflag:s0], s1  }
0x18e: {  	s1 =	ssub.s32 @!p0 $0x0, s1;
	[sflag:s0] =	ssyncset.done @!p0 $0x0  }
0x18f: {  	[sflag:s0] =	ssyncadd.s32 @!p0 s1  }
0x190: {  	[bflag:$0x3] =	sbarrier.arrive $0xFFFF  }
0x191: {  	_ =	shalt  }

</sc_bundles>
